<compile_context>
chip_gen: v7x
topology: tpu7x:2x2x1
jax: 0.10.2.dev20260603
libtpu: 0.0.44.dev20260713+nightly
codegen_flags: <defaults>
</compile_context>

<pallas_src>
import jax
import jax.numpy as jnp
from jax import lax
from jax.experimental import pallas as pl
from jax.experimental.pallas import tpu as pltpu
from jax.experimental.pallas import tpu_sc as plsc

N = 10000
F_IN = 128
HID = 64
OUT = 16

NC = 2
NS = 16
NW = NC * NS
CH = 128

N_PAD = 10240
ROWS_PT = N_PAD // NS
DUMMY = N

BLK = 1000

CPW_SC0 = 84
CPW_SC1 = 73
CPW_MAX = max(CPW_SC0, CPW_SC1)


def _deg_body(didx_hbm, ones_hbm, zeros_hbm, out_hbm, idx_v, idx_cur, ones_v,
              acc_sh, sem):
    c = lax.axis_index("c")
    s = lax.axis_index("s")
    w = c * NS + s
    cpw = didx_hbm.shape[1]
    pltpu.sync_copy(didx_hbm.at[w], idx_v)
    pltpu.sync_copy(ones_hbm, ones_v)
    pltpu.sync_copy(zeros_hbm, acc_sh.at[pl.ds(s * ROWS_PT, ROWS_PT)])
    plsc.subcore_barrier()

    def body(j, carry):
        for g in range(CH // 16):
            idx_cur[pl.ds(g * 16, 16)] = idx_v[j, pl.ds(g * 16, 16)]
        pltpu.sync_copy(ones_v, acc_sh.at[idx_cur], add=True)
        return carry

    lax.fori_loop(0, cpw, body, 0)
    plsc.subcore_barrier()
    pltpu.sync_copy(acc_sh.at[pl.ds(s * ROWS_PT, ROWS_PT)],
                    out_hbm.at[c, pl.ds(s * ROWS_PT, ROWS_PT)])


def _agg_body(y_hbm, gidx_hbm, sidx_hbm, zeros_hbm, out_hbm,
              gcur0, scur0, gcur1, scur1, rows0, rows1,
              acc_sh, semA, semB, semI0, semI1):
    c = lax.axis_index("c")
    s = lax.axis_index("s")
    w = c * NS + s
    cpw = jnp.where(c == 0, CPW_SC0, CPW_SC1)
    pltpu.sync_copy(zeros_hbm, acc_sh.at[pl.ds(s * ROWS_PT, ROWS_PT)])

    def fetch(j, gbuf, sbuf, sem):
        pltpu.async_copy(gidx_hbm.at[w, j], gbuf, sem)
        pltpu.async_copy(sidx_hbm.at[w, j], sbuf, sem)

    def wait_fetch(gbuf, sbuf, sem):
        pltpu.make_async_copy(gidx_hbm.at[w, 0], gbuf, sem).wait()
        pltpu.make_async_copy(sidx_hbm.at[w, 0], sbuf, sem).wait()

    plsc.subcore_barrier()

    fetch(0, gcur0, scur0, semI0)
    wait_fetch(gcur0, scur0, semI0)
    pltpu.async_copy(y_hbm.at[gcur0], rows0, semA)
    fetch(1, gcur1, scur1, semI1)

    def body(jj, carry):
        a = 2 * jj
        b = a + 1
        wait_fetch(gcur1, scur1, semI1)
        pltpu.async_copy(y_hbm.at[gcur1], rows1, semB)
        pltpu.make_async_copy(y_hbm.at[gcur0], rows0, semA).wait()

        @pl.when(a + 2 < cpw)
        def _():
            pltpu.async_copy(gidx_hbm.at[w, a + 2], gcur0, semI0)

        pltpu.sync_copy(rows0, acc_sh.at[scur0], add=True)

        @pl.when(a + 2 < cpw)
        def _():
            pltpu.async_copy(sidx_hbm.at[w, a + 2], scur0, semI0)
            wait_fetch(gcur0, scur0, semI0)
            pltpu.async_copy(y_hbm.at[gcur0], rows0, semA)

        pltpu.make_async_copy(y_hbm.at[gcur1], rows1, semB).wait()
        pltpu.sync_copy(rows1, acc_sh.at[scur1], add=True)

        @pl.when(b + 2 < cpw)
        def _():
            fetch(b + 2, gcur1, scur1, semI1)

        return carry

    lax.fori_loop(0, cpw // 2, body, 0)

    @pl.when(cpw % 2 == 1)
    def _():
        pltpu.make_async_copy(y_hbm.at[gcur0], rows0, semA).wait()
        pltpu.sync_copy(rows0, acc_sh.at[scur0], add=True)
    plsc.subcore_barrier()
    pltpu.sync_copy(acc_sh.at[pl.ds(s * ROWS_PT, ROWS_PT)],
                    out_hbm.at[c, pl.ds(s * ROWS_PT, ROWS_PT)])


def _prep_body(x_ref, degp_ref, wcat_ref, wz0_ref, wh0_ref, bz_ref, bh_ref,
               y_ref, xz_ref, xh_ref, dinv_ref):
    deg = degp_ref[0, :, 0:1] + degp_ref[1, :, 0:1]
    dinv = jnp.where(deg > 0, lax.rsqrt(jnp.maximum(deg, 1e-12)), 0.0)
    xb = x_ref[...]
    y_ref[...] = jnp.dot(xb * dinv, wcat_ref[...],
                         preferred_element_type=jnp.float32)
    xz_ref[...] = jnp.dot(xb, wz0_ref[...],
                          preferred_element_type=jnp.float32) + bz_ref[...]
    xh_ref[...] = jnp.dot(xb, wh0_ref[...],
                          preferred_element_type=jnp.float32) + bh_ref[...]
    dinv_ref[...] = dinv


def _final_body(aggp_ref, dinv_ref, xz_ref, xh_ref, wlin_ref, blin_ref, out_ref):
    agg = aggp_ref[0] + aggp_ref[1]
    t = agg * (-dinv_ref[...])
    z = jax.nn.sigmoid(xz_ref[...] + t[:, :HID])
    ht = jnp.tanh(xh_ref[...] + t[:, HID:])
    h = jnp.dot((1.0 - z) * ht, wlin_ref[...],
                preferred_element_type=jnp.float32) + blin_ref[...]
    nrm = jnp.maximum(jnp.sqrt(jnp.sum(h * h, axis=1, keepdims=True)), 1e-12)
    out_ref[...] = h / nrm


def kernel(x, edge_index, W_xz, b_xz, W_hz, b_hz, W_xr, b_xr, W_hr, b_hr,
           W_xh, b_xh, W_hh, b_hh, W_lin, b_lin):
    e = edge_index.shape[1]
    cpw = -(-e // (NW * CH))
    e_pad = NW * cpw * CH
    pad = e_pad - e

    src = edge_index[0]
    dst = edge_index[1]
    deg_idx = jnp.concatenate(
        [src, jnp.full((pad,), DUMMY, jnp.int32)]).reshape(NW, cpw, CH)

    e0 = NS * CPW_SC0 * CH
    e1 = NS * CPW_SC1 * CH
    pad1 = e0 + e1 - e

    def slabs(idx, fill):
        a0 = idx[:e0].reshape(NS, CPW_SC0, CH)
        a1 = jnp.concatenate(
            [idx[e0:], jnp.full((pad1,), fill, jnp.int32)]).reshape(
                NS, CPW_SC1, CH)
        out = jnp.full((NW, CPW_MAX, CH), fill, jnp.int32)
        return out.at[:NS, :CPW_SC0].set(a0).at[NS:, :CPW_SC1].set(a1)

    gat_idx = slabs(src, 0)
    sct_idx = slabs(dst, DUMMY)

    ones_rows = jnp.ones((CH, F_IN), jnp.float32)
    zeros_agg = jnp.zeros((ROWS_PT, F_IN), jnp.float32)

    mesh = plsc.VectorSubcoreMesh(core_axis_name="c", subcore_axis_name="s")

    deg_call = pl.kernel(
        _deg_body,
        out_type=jax.ShapeDtypeStruct((NC, N_PAD, F_IN), jnp.float32),
        mesh=mesh,
        scratch_types=[
            pltpu.VMEM((cpw, CH), jnp.int32),
            pltpu.VMEM((CH,), jnp.int32),
            pltpu.VMEM((CH, F_IN), jnp.float32),
            pltpu.VMEM_SHARED((N_PAD, F_IN), jnp.float32),
            pltpu.SemaphoreType.DMA,
        ],
    )
    degp = deg_call(deg_idx, ones_rows, zeros_agg)

    wcat = jnp.concatenate([W_xz[1], W_xh[1]], axis=1)
    bz = (b_xz + b_hz).reshape(1, HID)
    bh = (b_xh + b_hh).reshape(1, HID)

    nblk = N // BLK
    y, xz, xh, dinv = pl.pallas_call(
        _prep_body,
        grid=(nblk,),
        in_specs=[
            pl.BlockSpec((BLK, F_IN), lambda i: (i, 0)),
            pl.BlockSpec((NC, BLK, F_IN), lambda i: (0, i, 0)),
            pl.BlockSpec((F_IN, F_IN), lambda i: (0, 0)),
            pl.BlockSpec((F_IN, HID), lambda i: (0, 0)),
            pl.BlockSpec((F_IN, HID), lambda i: (0, 0)),
            pl.BlockSpec((1, HID), lambda i: (0, 0)),
            pl.BlockSpec((1, HID), lambda i: (0, 0)),
        ],
        out_specs=[
            pl.BlockSpec((BLK, F_IN), lambda i: (i, 0)),
            pl.BlockSpec((BLK, HID), lambda i: (i, 0)),
            pl.BlockSpec((BLK, HID), lambda i: (i, 0)),
            pl.BlockSpec((BLK, 1), lambda i: (i, 0)),
        ],
        out_shape=[
            jax.ShapeDtypeStruct((N, F_IN), jnp.float32),
            jax.ShapeDtypeStruct((N, HID), jnp.float32),
            jax.ShapeDtypeStruct((N, HID), jnp.float32),
            jax.ShapeDtypeStruct((N, 1), jnp.float32),
        ],
    )(x, degp, wcat, W_xz[0], W_xh[0], bz, bh)

    agg_call = pl.kernel(
        _agg_body,
        out_type=jax.ShapeDtypeStruct((NC, N_PAD, F_IN), jnp.float32),
        mesh=mesh,
        scratch_types=[
            pltpu.VMEM((CH,), jnp.int32),
            pltpu.VMEM((CH,), jnp.int32),
            pltpu.VMEM((CH,), jnp.int32),
            pltpu.VMEM((CH,), jnp.int32),
            pltpu.VMEM((CH, F_IN), jnp.float32),
            pltpu.VMEM((CH, F_IN), jnp.float32),
            pltpu.VMEM_SHARED((N_PAD, F_IN), jnp.float32),
            pltpu.SemaphoreType.DMA,
            pltpu.SemaphoreType.DMA,
            pltpu.SemaphoreType.DMA,
            pltpu.SemaphoreType.DMA,
        ],
    )
    aggp = agg_call(y, gat_idx, sct_idx, zeros_agg)

    out = pl.pallas_call(
        _final_body,
        grid=(nblk,),
        in_specs=[
            pl.BlockSpec((NC, BLK, F_IN), lambda i: (0, i, 0)),
            pl.BlockSpec((BLK, 1), lambda i: (i, 0)),
            pl.BlockSpec((BLK, HID), lambda i: (i, 0)),
            pl.BlockSpec((BLK, HID), lambda i: (i, 0)),
            pl.BlockSpec((HID, OUT), lambda i: (0, 0)),
            pl.BlockSpec((1, OUT), lambda i: (0, 0)),
        ],
        out_specs=pl.BlockSpec((BLK, OUT), lambda i: (i, 0)),
        out_shape=jax.ShapeDtypeStruct((N, OUT), jnp.float32),
    )(aggp, dinv, xz, xh, W_lin, b_lin.reshape(1, OUT))
    return out

# --- scband reference (transcript-rebuilt; emitter-appended) ---
"""Pipeline reference for scband-gcntemporal-predictor-15874199126537 (READ-ONLY COPY).

The authoritative reference and input builder live on the scoring server;
editing this copy changes nothing except your own understanding.
"""

import jax, jax.numpy as jnp
import numpy as np

N = 10000
E = 320000
F_IN = 128
HID = 64
OUT = 16


def _glorot(key, shape, scale=0.05):
    return jax.random.normal(key, shape, dtype=jnp.float32) * scale


def setup_inputs(seed: int = 0):
    key = jax.random.key(seed)
    ks = jax.random.split(key, 4)
    x = jax.random.normal(ks[0], (N, F_IN), dtype=jnp.float32)
    edge_index = jax.random.randint(ks[1], (2, E), 0, N, dtype=jnp.int32)
    inp = {"x": x, "edge_index": edge_index}
    # GConvGRU with K=2: six ChebConv layers, each with weight [K, in, out] and bias [out]
    names_in = [("W_xz", F_IN), ("W_hz", HID), ("W_xr", F_IN), ("W_hr", HID), ("W_xh", F_IN), ("W_hh", HID)]
    k = ks[2]
    for name, fin in names_in:
        k, sub = jax.random.split(k)
        inp[name] = _glorot(sub, (2, fin, HID))
        inp["b" + name[1:]] = jnp.zeros((HID,), jnp.float32)
    k, sub = jax.random.split(k)
    inp["W_lin"] = _glorot(sub, (HID, OUT))
    inp["b_lin"] = jnp.zeros((OUT,), jnp.float32)
    return inp


def _cheb(x, W, b, src, dst, norm, n_nodes):
    # ChebConv K=2 with sym normalization and lambda_max=2.0:
    # T0 = x ; T1 = L_hat x where L_hat = L - I = -D^{-1/2} A D^{-1/2} (diag is 0)
    out = x @ W[0]
    msg = norm[:, None] * jnp.take(x, src, axis=0)
    tx1 = jax.ops.segment_sum(msg, dst, num_segments=n_nodes)
    return out + tx1 @ W[1] + b


def reference(x, edge_index, W_xz, b_xz, W_hz, b_hz, W_xr, b_xr, W_hr, b_hr, W_xh, b_xh, W_hh, b_hh, W_lin, b_lin):
    n = x.shape[0]
    src = edge_index[0]
    dst = edge_index[1]
    # sym-normalized Laplacian edge norms (edge_weight = 1)
    deg = jax.ops.segment_sum(jnp.ones((src.shape[0],), jnp.float32), src, num_segments=n)
    dinv = jnp.where(deg > 0, jax.lax.rsqrt(jnp.maximum(deg, 1e-12)), 0.0)
    norm = -dinv[src] * dinv[dst]
    # GConvGRU single step, H initialized to zeros
    H = jnp.zeros((n, HID), x.dtype)
    Z = jax.nn.sigmoid(_cheb(x, W_xz, b_xz, src, dst, norm, n) + _cheb(H, W_hz, b_hz, src, dst, norm, n))
    R = jax.nn.sigmoid(_cheb(x, W_xr, b_xr, src, dst, norm, n) + _cheb(H, W_hr, b_hr, src, dst, norm, n))
    Ht = jnp.tanh(_cheb(x, W_xh, b_xh, src, dst, norm, n) + _cheb(H * R, W_hh, b_hh, src, dst, norm, n))
    Hn = Z * H + (1.0 - Z) * Ht
    h = Hn @ W_lin + b_lin
    # F.normalize(h, p=2, dim=1), eps=1e-12
    nrm = jnp.maximum(jnp.sqrt(jnp.sum(h * h, axis=1, keepdims=True)), 1e-12)
    return h / nrm

if __name__ == "__main__":
    import jax
    _d = setup_inputs()
    print(jax.jit(kernel)(*tuple(_d.values())))

</pallas_src>

<mosaic_0001>
#map = affine_map<(d0, d1) -> (0, 0, 0)>
#map1 = affine_map<(d0, d1) -> (0, 0)>
module attributes {stable_mosaic.version = 14 : i64} {
  func.func @_deg_body(%arg0: i32, %arg1: i32, %arg2: memref<32x79x128xi32, #tpu.memory_space<hbm>>, %arg3: memref<128x128xf32, #tpu.memory_space<hbm>>, %arg4: memref<640x128xf32, #tpu.memory_space<hbm>>, %arg5: memref<2x10240x128xf32, #tpu.memory_space<hbm>>, %arg6: memref<79x128xi32, #tpu.memory_space<vmem>>, %arg7: memref<128xi32, #tpu.memory_space<vmem>>, %arg8: memref<128x128xf32, #tpu.memory_space<vmem>>, %arg9: memref<10240x128xf32, #tpu.memory_space<vmem_shared>>, %arg10: memref<!tpu.dma_semaphore, #tpu.memory_space<semaphore_mem>>) attributes {dimension_semantics = [#tpu.dimension_semantics<core_parallel>, #tpu.dimension_semantics<subcore_parallel>], iteration_bounds = array<i64: 2, 16>, scalar_prefetch = 0 : i64, scratch_operands = 5 : i64, tpu.core_type = #tpu.core_type<sc_vector_subcore>, window_params = [{transform_indices = #map}, {transform_indices = #map1}, {transform_indices = #map1}, {transform_indices = #map}]} {
    %mul3A = arith.constant 16 : i32
    %mul3A_0 = arith.muli %arg0, %mul3A : i32
    %add3A = arith.addi %mul3A_0, %arg1 : i32
    "tpu.region"() ({
      %run_scoped3A = tpu.sem_alloc : memref<!tpu.dma_semaphore, #tpu.memory_space<semaphore_mem>>
      %dma_start3A = arith.constant 0 : i32
      %dma_start3A_13 = arith.constant 0 : i32
      %dma_start3A_14 = tpu.memref_slice %arg2[%add3A, %dma_start3A, %dma_start3A_13] : memref<32x79x128xi32, #tpu.memory_space<hbm>> -> memref<1x79x128xi32, #tpu.memory_space<hbm>>
      %dma_start3A_15 = tpu.memref_squeeze %dma_start3A_14 : memref<1x79x128xi32, #tpu.memory_space<hbm>> -> memref<79x128xi32, #tpu.memory_space<hbm>>
      %dma_start3A_16 = arith.constant 0 : i32
      %dma_start3A_17 = arith.constant 0 : i32
      %dma_start3A_18 = tpu.memref_slice %arg2[%add3A, %dma_start3A_16, %dma_start3A_17] : memref<32x79x128xi32, #tpu.memory_space<hbm>> -> memref<1x79x128xi32, #tpu.memory_space<hbm>>
      %dma_start3A_19 = tpu.memref_squeeze %dma_start3A_18 : memref<1x79x128xi32, #tpu.memory_space<hbm>> -> memref<79x128xi32, #tpu.memory_space<hbm>>
      tpu.enqueue_dma source(%dma_start3A_19 : memref<79x128xi32, #tpu.memory_space<hbm>>) target(%arg6 : memref<79x128xi32, #tpu.memory_space<vmem>>) target_semaphore(%run_scoped3A : memref<!tpu.dma_semaphore, #tpu.memory_space<semaphore_mem>>)
      %dma_wait3A = arith.constant 0 : i32
      %dma_wait3A_20 = arith.constant 0 : i32
      %dma_wait3A_21 = tpu.memref_slice %arg2[%add3A, %dma_wait3A, %dma_wait3A_20] : memref<32x79x128xi32, #tpu.memory_space<hbm>> -> memref<1x79x128xi32, #tpu.memory_space<hbm>>
      %dma_wait3A_22 = tpu.memref_squeeze %dma_wait3A_21 : memref<1x79x128xi32, #tpu.memory_space<hbm>> -> memref<79x128xi32, #tpu.memory_space<hbm>>
      %dma_wait3A_23 = arith.constant 0 : i32
      %dma_wait3A_24 = arith.constant 0 : i32
      %dma_wait3A_25 = tpu.memref_slice %arg2[%add3A, %dma_wait3A_23, %dma_wait3A_24] : memref<32x79x128xi32, #tpu.memory_space<hbm>> -> memref<1x79x128xi32, #tpu.memory_space<hbm>>
      %dma_wait3A_26 = tpu.memref_squeeze %dma_wait3A_25 : memref<1x79x128xi32, #tpu.memory_space<hbm>> -> memref<79x128xi32, #tpu.memory_space<hbm>>
      tpu.wait_dma2 semaphore(%run_scoped3A : memref<!tpu.dma_semaphore, #tpu.memory_space<semaphore_mem>>) src(%dma_wait3A_26 : memref<79x128xi32, #tpu.memory_space<hbm>>) dst(%arg6 : memref<79x128xi32, #tpu.memory_space<vmem>>)
      tpu.yield
    }) : () -> ()
    "tpu.region"() ({
      %run_scoped3A = tpu.sem_alloc : memref<!tpu.dma_semaphore, #tpu.memory_space<semaphore_mem>>
      tpu.enqueue_dma source(%arg3 : memref<128x128xf32, #tpu.memory_space<hbm>>) target(%arg8 : memref<128x128xf32, #tpu.memory_space<vmem>>) target_semaphore(%run_scoped3A : memref<!tpu.dma_semaphore, #tpu.memory_space<semaphore_mem>>)
      tpu.wait_dma2 semaphore(%run_scoped3A : memref<!tpu.dma_semaphore, #tpu.memory_space<semaphore_mem>>) src(%arg3 : memref<128x128xf32, #tpu.memory_space<hbm>>) dst(%arg8 : memref<128x128xf32, #tpu.memory_space<vmem>>)
      tpu.yield
    }) : () -> ()
    %mul3A_1 = arith.constant 640 : i32
    %mul3A_2 = arith.muli %arg1, %mul3A_1 : i32
    "tpu.region"() ({
      %run_scoped3A = tpu.sem_alloc : memref<!tpu.dma_semaphore, #tpu.memory_space<semaphore_mem>>
      %dma_start3A = arith.constant 0 : i32
      %dma_start3A_13 = tpu.memref_slice %arg9[%mul3A_2, %dma_start3A] : memref<10240x128xf32, #tpu.memory_space<vmem_shared>> -> memref<640x128xf32, #tpu.memory_space<vmem_shared>>
      tpu.enqueue_dma source(%arg4 : memref<640x128xf32, #tpu.memory_space<hbm>>) target(%dma_start3A_13 : memref<640x128xf32, #tpu.memory_space<vmem_shared>>) target_semaphore(%run_scoped3A : memref<!tpu.dma_semaphore, #tpu.memory_space<semaphore_mem>>)
      %dma_wait3A = arith.constant 0 : i32
      %dma_wait3A_14 = tpu.memref_slice %arg9[%mul3A_2, %dma_wait3A] : memref<10240x128xf32, #tpu.memory_space<vmem_shared>> -> memref<640x128xf32, #tpu.memory_space<vmem_shared>>
      tpu.wait_dma2 semaphore(%run_scoped3A : memref<!tpu.dma_semaphore, #tpu.memory_space<semaphore_mem>>) src(%arg4 : memref<640x128xf32, #tpu.memory_space<hbm>>) dst(%dma_wait3A_14 : memref<640x128xf32, #tpu.memory_space<vmem_shared>>)
      tpu.yield
    }) : () -> ()
    %barrier3A = arith.constant 0 : index
    tpu.barrier barrier_id(%barrier3A)
    %scan3A = arith.constant 0 : i32
    %scan3A_3 = arith.constant 0 : i32
    %scan3A_4 = arith.constant 79 : i32
    %scan3A_5 = arith.addi %scan3A_3, %scan3A_4 : i32
    %scan3A_6 = arith.constant 1 : i32
    scf.for %scan3A_13 = %scan3A_3 to %scan3A_5 step %scan3A_6  : i32 {
      %get3A = arith.index_cast %scan3A_13 : i32 to index
      %get3A_14 = arith.constant 0 : index
      %get3A_15 = tpu.vector_load %arg6[%get3A, %get3A_14] {strides = array<i32>} : memref<79x128xi32, #tpu.memory_space<vmem>>, vector<1x16xi32>,
      %get3A_16 = vector.shape_cast %get3A_15 : vector<1x16xi32> to vector<16xi32>
      %swap3A = arith.constant 0 : index
      %swap3A_17 = tpu.vector_load %arg7[%swap3A] {strides = array<i32>} : memref<128xi32, #tpu.memory_space<vmem>>, vector<16xi32>,
      %swap3A_18 = vector.shape_cast %swap3A_17 : vector<16xi32> to vector<16xi32>
      %swap3A_19 = vector.shape_cast %get3A_16 : vector<16xi32> to vector<16xi32>
      tpu.vector_store %arg7[%swap3A], %swap3A_19 {strides = array<i32>} : memref<128xi32, #tpu.memory_space<vmem>>, vector<16xi32>,
      %get3A_20 = arith.index_cast %scan3A_13 : i32 to index
      %get3A_21 = arith.constant 16 : index
      %get3A_22 = tpu.vector_load %arg6[%get3A_20, %get3A_21] {strides = array<i32>} : memref<79x128xi32, #tpu.memory_space<vmem>>, vector<1x16xi32>,
      %get3A_23 = vector.shape_cast %get3A_22 : vector<1x16xi32> to vector<16xi32>
      %swap3A_24 = arith.constant 16 : index
      %swap3A_25 = tpu.vector_load %arg7[%swap3A_24] {strides = array<i32>} : memref<128xi32, #tpu.memory_space<vmem>>, vector<16xi32>,
      %swap3A_26 = vector.shape_cast %swap3A_25 : vector<16xi32> to vector<16xi32>
      %swap3A_27 = vector.shape_cast %get3A_23 : vector<16xi32> to vector<16xi32>
      tpu.vector_store %arg7[%swap3A_24], %swap3A_27 {strides = array<i32>} : memref<128xi32, #tpu.memory_space<vmem>>, vector<16xi32>,
      %get3A_28 = arith.index_cast %scan3A_13 : i32 to index
      %get3A_29 = arith.constant 32 : index
      %get3A_30 = tpu.vector_load %arg6[%get3A_28, %get3A_29] {strides = array<i32>} : memref<79x128xi32, #tpu.memory_space<vmem>>, vector<1x16xi32>,
      %get3A_31 = vector.shape_cast %get3A_30 : vector<1x16xi32> to vector<16xi32>
      %swap3A_32 = arith.constant 32 : index
      %swap3A_33 = tpu.vector_load %arg7[%swap3A_32] {strides = array<i32>} : memref<128xi32, #tpu.memory_space<vmem>>, vector<16xi32>,
      %swap3A_34 = vector.shape_cast %swap3A_33 : vector<16xi32> to vector<16xi32>
      %swap3A_35 = vector.shape_cast %get3A_31 : vector<16xi32> to vector<16xi32>
      tpu.vector_store %arg7[%swap3A_32], %swap3A_35 {strides = array<i32>} : memref<128xi32, #tpu.memory_space<vmem>>, vector<16xi32>,
      %get3A_36 = arith.index_cast %scan3A_13 : i32 to index
      %get3A_37 = arith.constant 48 : index
      %get3A_38 = tpu.vector_load %arg6[%get3A_36, %get3A_37] {strides = array<i32>} : memref<79x128xi32, #tpu.memory_space<vmem>>, vector<1x16xi32>,
      %get3A_39 = vector.shape_cast %get3A_38 : vector<1x16xi32> to vector<16xi32>
      %swap3A_40 = arith.constant 48 : index
      %swap3A_41 = tpu.vector_load %arg7[%swap3A_40] {strides = array<i32>} : memref<128xi32, #tpu.memory_space<vmem>>, vector<16xi32>,
      %swap3A_42 = vector.shape_cast %swap3A_41 : vector<16xi32> to vector<16xi32>
      %swap3A_43 = vector.shape_cast %get3A_39 : vector<16xi32> to vector<16xi32>
      tpu.vector_store %arg7[%swap3A_40], %swap3A_43 {strides = array<i32>} : memref<128xi32, #tpu.memory_space<vmem>>, vector<16xi32>,
      %get3A_44 = arith.index_cast %scan3A_13 : i32 to index
      %get3A_45 = arith.constant 64 : index
      %get3A_46 = tpu.vector_load %arg6[%get3A_44, %get3A_45] {strides = array<i32>} : memref<79x128xi32, #tpu.memory_space<vmem>>, vector<1x16xi32>,
      %get3A_47 = vector.shape_cast %get3A_46 : vector<1x16xi32> to vector<16xi32>
      %swap3A_48 = arith.constant 64 : index
      %swap3A_49 = tpu.vector_load %arg7[%swap3A_48] {strides = array<i32>} : memref<128xi32, #tpu.memory_space<vmem>>, vector<16xi32>,
      %swap3A_50 = vector.shape_cast %swap3A_49 : vector<16xi32> to vector<16xi32>
      %swap3A_51 = vector.shape_cast %get3A_47 : vector<16xi32> to vector<16xi32>
      tpu.vector_store %arg7[%swap3A_48], %swap3A_51 {strides = array<i32>} : memref<128xi32, #tpu.memory_space<vmem>>, vector<16xi32>,
      %get3A_52 = arith.index_cast %scan3A_13 : i32 to index
      %get3A_53 = arith.constant 80 : index
      %get3A_54 = tpu.vector_load %arg6[%get3A_52, %get3A_53] {strides = array<i32>} : memref<79x128xi32, #tpu.memory_space<vmem>>, vector<1x16xi32>,
      %get3A_55 = vector.shape_cast %get3A_54 : vector<1x16xi32> to vector<16xi32>
      %swap3A_56 = arith.constant 80 : index
      %swap3A_57 = tpu.vector_load %arg7[%swap3A_56] {strides = array<i32>} : memref<128xi32, #tpu.memory_space<vmem>>, vector<16xi32>,
      %swap3A_58 = vector.shape_cast %swap3A_57 : vector<16xi32> to vector<16xi32>
      %swap3A_59 = vector.shape_cast %get3A_55 : vector<16xi32> to vector<16xi32>
      tpu.vector_store %arg7[%swap3A_56], %swap3A_59 {strides = array<i32>} : memref<128xi32, #tpu.memory_space<vmem>>, vector<16xi32>,
      %get3A_60 = arith.index_cast %scan3A_13 : i32 to index
      %get3A_61 = arith.constant 96 : index
      %get3A_62 = tpu.vector_load %arg6[%get3A_60, %get3A_61] {strides = array<i32>} : memref<79x128xi32, #tpu.memory_space<vmem>>, vector<1x16xi32>,
      %get3A_63 = vector.shape_cast %get3A_62 : vector<1x16xi32> to vector<16xi32>
      %swap3A_64 = arith.constant 96 : index
      %swap3A_65 = tpu.vector_load %arg7[%swap3A_64] {strides = array<i32>} : memref<128xi32, #tpu.memory_space<vmem>>, vector<16xi32>,
      %swap3A_66 = vector.shape_cast %swap3A_65 : vector<16xi32> to vector<16xi32>
      %swap3A_67 = vector.shape_cast %get3A_63 : vector<16xi32> to vector<16xi32>
      tpu.vector_store %arg7[%swap3A_64], %swap3A_67 {strides = array<i32>} : memref<128xi32, #tpu.memory_space<vmem>>, vector<16xi32>,
      %get3A_68 = arith.index_cast %scan3A_13 : i32 to index
      %get3A_69 = arith.constant 112 : index
      %get3A_70 = tpu.vector_load %arg6[%get3A_68, %get3A_69] {strides = array<i32>} : memref<79x128xi32, #tpu.memory_space<vmem>>, vector<1x16xi32>,
      %get3A_71 = vector.shape_cast %get3A_70 : vector<1x16xi32> to vector<16xi32>
      %swap3A_72 = arith.constant 112 : index
      %swap3A_73 = tpu.vector_load %arg7[%swap3A_72] {strides = array<i32>} : memref<128xi32, #tpu.memory_space<vmem>>, vector<16xi32>,
      %swap3A_74 = vector.shape_cast %swap3A_73 : vector<16xi32> to vector<16xi32>
      %swap3A_75 = vector.shape_cast %get3A_71 : vector<16xi32> to vector<16xi32>
      tpu.vector_store %arg7[%swap3A_72], %swap3A_75 {strides = array<i32>} : memref<128xi32, #tpu.memory_space<vmem>>, vector<16xi32>,
      "tpu.region"() ({
        %run_scoped3A = tpu.sem_alloc : memref<!tpu.dma_semaphore, #tpu.memory_space<semaphore_mem>>
        %dma_start3A = arith.constant 0 : i32
        %dma_start3A_76 = arith.constant 0 : i32
        %dma_start3A_77 = tpu.memref_slice %arg9[%dma_start3A, %dma_start3A_76] : memref<10240x128xf32, #tpu.memory_space<vmem_shared>> -> memref<10240x128xf32, #tpu.memory_space<vmem_shared>>
        tpu.enqueue_indirect_dma source(%arg8 : memref<128x128xf32, #tpu.memory_space<vmem>>) target(%dma_start3A_77 : memref<10240x128xf32, #tpu.memory_space<vmem_shared>>) offsets(%arg7 : memref<128xi32, #tpu.memory_space<vmem>>) semaphore(%run_scoped3A : memref<!tpu.dma_semaphore, #tpu.memory_space<semaphore_mem>>) {add = true}
        %dma_wait3A = arith.constant 0 : i32
        %dma_wait3A_78 = arith.constant 0 : i32
        %dma_wait3A_79 = tpu.memref_slice %arg9[%dma_wait3A, %dma_wait3A_78] : memref<10240x128xf32, #tpu.memory_space<vmem_shared>> -> memref<10240x128xf32, #tpu.memory_space<vmem_shared>>
        tpu.wait_indirect_dma semaphore(%run_scoped3A : memref<!tpu.dma_semaphore, #tpu.memory_space<semaphore_mem>>) src(%arg8 : memref<128x128xf32, #tpu.memory_space<vmem>>) dst(%dma_wait3A_79 : memref<10240x128xf32, #tpu.memory_space<vmem_shared>>)
        tpu.yield
      }) : () -> ()
    }
    %scan3A_7 = arith.constant 79 : i32
    %barrier3A_8 = arith.constant 0 : index
    tpu.barrier barrier_id(%barrier3A_8)
    %mul3A_9 = arith.constant 640 : i32
    %mul3A_10 = arith.muli %arg1, %mul3A_9 : i32
    %mul3A_11 = arith.constant 640 : i32
    %mul3A_12 = arith.muli %arg1, %mul3A_11 : i32
    "tpu.region"() ({
      %run_scoped3A = tpu.sem_alloc : memref<!tpu.dma_semaphore, #tpu.memory_space<semaphore_mem>>
      %dma_start3A = arith.constant 0 : i32
      %dma_start3A_13 = tpu.memref_slice %arg5[%arg0, %mul3A_12, %dma_start3A] : memref<2x10240x128xf32, #tpu.memory_space<hbm>> -> memref<1x640x128xf32, #tpu.memory_space<hbm>>
      %dma_start3A_14 = tpu.memref_squeeze %dma_start3A_13 : memref<1x640x128xf32, #tpu.memory_space<hbm>> -> memref<640x128xf32, #tpu.memory_space<hbm>>
      %dma_start3A_15 = arith.constant 0 : i32
      %dma_start3A_16 = tpu.memref_slice %arg9[%mul3A_10, %dma_start3A_15] : memref<10240x128xf32, #tpu.memory_space<vmem_shared>> -> memref<640x128xf32, #tpu.memory_space<vmem_shared>>
      tpu.enqueue_dma source(%dma_start3A_16 : memref<640x128xf32, #tpu.memory_space<vmem_shared>>) target(%dma_start3A_14 : memref<640x128xf32, #tpu.memory_space<hbm>>) target_semaphore(%run_scoped3A : memref<!tpu.dma_semaphore, #tpu.memory_space<semaphore_mem>>)
      %dma_wait3A = arith.constant 0 : i32
      %dma_wait3A_17 = tpu.memref_slice %arg5[%arg0, %mul3A_12, %dma_wait3A] : memref<2x10240x128xf32, #tpu.memory_space<hbm>> -> memref<1x640x128xf32, #tpu.memory_space<hbm>>
      %dma_wait3A_18 = tpu.memref_squeeze %dma_wait3A_17 : memref<1x640x128xf32, #tpu.memory_space<hbm>> -> memref<640x128xf32, #tpu.memory_space<hbm>>
      %dma_wait3A_19 = arith.constant 0 : i32
      %dma_wait3A_20 = tpu.memref_slice %arg9[%mul3A_10, %dma_wait3A_19] : memref<10240x128xf32, #tpu.memory_space<vmem_shared>> -> memref<640x128xf32, #tpu.memory_space<vmem_shared>>
      tpu.wait_dma2 semaphore(%run_scoped3A : memref<!tpu.dma_semaphore, #tpu.memory_space<semaphore_mem>>) src(%dma_wait3A_20 : memref<640x128xf32, #tpu.memory_space<vmem_shared>>) dst(%dma_wait3A_18 : memref<640x128xf32, #tpu.memory_space<hbm>>)
      tpu.yield
    }) : () -> ()
    return
  }
}

#map = affine_map<(d0, d1) -> (0, 0)>
#map1 = affine_map<(d0, d1) -> (0, 0, 0)>
module attributes {stable_mosaic.version = 14 : i64} {
  func.func @_agg_body(%arg0: i32, %arg1: i32, %arg2: memref<10000x128xf32, #tpu.memory_space<hbm>>, %arg3: memref<32x84x128xi32, #tpu.memory_space<hbm>>, %arg4: memref<32x84x128xi32, #tpu.memory_space<hbm>>, %arg5: memref<640x128xf32, #tpu.memory_space<hbm>>, %arg6: memref<2x10240x128xf32, #tpu.memory_space<hbm>>, %arg7: memref<128xi32, #tpu.memory_space<vmem>>, %arg8: memref<128xi32, #tpu.memory_space<vmem>>, %arg9: memref<128xi32, #tpu.memory_space<vmem>>, %arg10: memref<128xi32, #tpu.memory_space<vmem>>, %arg11: memref<128x128xf32, #tpu.memory_space<vmem>>, %arg12: memref<128x128xf32, #tpu.memory_space<vmem>>, %arg13: memref<10240x128xf32, #tpu.memory_space<vmem_shared>>, %arg14: memref<!tpu.dma_semaphore, #tpu.memory_space<semaphore_mem>>, %arg15: memref<!tpu.dma_semaphore, #tpu.memory_space<semaphore_mem>>, %arg16: memref<!tpu.dma_semaphore, #tpu.memory_space<semaphore_mem>>, %arg17: memref<!tpu.dma_semaphore, #tpu.memory_space<semaphore_mem>>) attributes {dimension_semantics = [#tpu.dimension_semantics<core_parallel>, #tpu.dimension_semantics<subcore_parallel>], iteration_bounds = array<i64: 2, 16>, scalar_prefetch = 0 : i64, scratch_operands = 11 : i64, tpu.core_type = #tpu.core_type<sc_vector_subcore>, window_params = [{transform_indices = #map}, {transform_indices = #map1}, {transform_indices = #map1}, {transform_indices = #map}, {transform_indices = #map1}]} {
    %mul3A = arith.constant 16 : i32
    %mul3A_0 = arith.muli %arg0, %mul3A : i32
    %add3A = arith.addi %mul3A_0, %arg1 : i32
    %eq3A = arith.constant 0 : i32
    %eq3A_1 = arith.cmpi eq, %arg0, %eq3A : i32
    %jit3A = arith.constant 84 : i32
    %jit3A_2 = arith.constant 73 : i32
    %select_n3A = arith.select %eq3A_1, %jit3A, %jit3A_2 : i32
    %mul3A_3 = arith.constant 640 : i32
    %mul3A_4 = arith.muli %arg1, %mul3A_3 : i32
    "tpu.region"() ({
      %run_scoped3A = tpu.sem_alloc : memref<!tpu.dma_semaphore, #tpu.memory_space<semaphore_mem>>
      %dma_start3A_98 = arith.constant 0 : i32
      %dma_start3A_99 = tpu.memref_slice %arg13[%mul3A_4, %dma_start3A_98] : memref<10240x128xf32, #tpu.memory_space<vmem_shared>> -> memref<640x128xf32, #tpu.memory_space<vmem_shared>>
      tpu.enqueue_dma source(%arg5 : memref<640x128xf32, #tpu.memory_space<hbm>>) target(%dma_start3A_99 : memref<640x128xf32, #tpu.memory_space<vmem_shared>>) target_semaphore(%run_scoped3A : memref<!tpu.dma_semaphore, #tpu.memory_space<semaphore_mem>>)
      %dma_wait3A_100 = arith.constant 0 : i32
      %dma_wait3A_101 = tpu.memref_slice %arg13[%mul3A_4, %dma_wait3A_100] : memref<10240x128xf32, #tpu.memory_space<vmem_shared>> -> memref<640x128xf32, #tpu.memory_space<vmem_shared>>
      tpu.wait_dma2 semaphore(%run_scoped3A : memref<!tpu.dma_semaphore, #tpu.memory_space<semaphore_mem>>) src(%arg5 : memref<640x128xf32, #tpu.memory_space<hbm>>) dst(%dma_wait3A_101 : memref<640x128xf32, #tpu.memory_space<vmem_shared>>)
      tpu.yield
    }) : () -> ()
    %barrier3A = arith.constant 0 : index
    tpu.barrier barrier_id(%barrier3A)
    %dma_start3A = arith.constant 0 : i32
    %dma_start3A_5 = arith.constant 0 : i32
    %dma_start3A_6 = tpu.memref_slice %arg3[%add3A, %dma_start3A, %dma_start3A_5] : memref<32x84x128xi32, #tpu.memory_space<hbm>> -> memref<1x1x128xi32, #tpu.memory_space<hbm>>
    %dma_start3A_7 = tpu.memref_squeeze %dma_start3A_6 : memref<1x1x128xi32, #tpu.memory_space<hbm>> -> memref<128xi32, #tpu.memory_space<hbm>>
    %dma_start3A_8 = arith.constant 0 : i32
    %dma_start3A_9 = tpu.memref_slice %arg3[%add3A, %dma_start3A, %dma_start3A_8] : memref<32x84x128xi32, #tpu.memory_space<hbm>> -> memref<1x1x128xi32, #tpu.memory_space<hbm>>
    %dma_start3A_10 = tpu.memref_squeeze %dma_start3A_9 : memref<1x1x128xi32, #tpu.memory_space<hbm>> -> memref<128xi32, #tpu.memory_space<hbm>>
    tpu.enqueue_dma source(%dma_start3A_10 : memref<128xi32, #tpu.memory_space<hbm>>) target(%arg7 : memref<128xi32, #tpu.memory_space<vmem>>) target_semaphore(%arg16 : memref<!tpu.dma_semaphore, #tpu.memory_space<semaphore_mem>>)
    %dma_start3A_11 = arith.constant 0 : i32
    %dma_start3A_12 = arith.constant 0 : i32
    %dma_start3A_13 = tpu.memref_slice %arg4[%add3A, %dma_start3A_11, %dma_start3A_12] : memref<32x84x128xi32, #tpu.memory_space<hbm>> -> memref<1x1x128xi32, #tpu.memory_space<hbm>>
    %dma_start3A_14 = tpu.memref_squeeze %dma_start3A_13 : memref<1x1x128xi32, #tpu.memory_space<hbm>> -> memref<128xi32, #tpu.memory_space<hbm>>
    %dma_start3A_15 = arith.constant 0 : i32
    %dma_start3A_16 = tpu.memref_slice %arg4[%add3A, %dma_start3A_11, %dma_start3A_15] : memref<32x84x128xi32, #tpu.memory_space<hbm>> -> memref<1x1x128xi32, #tpu.memory_space<hbm>>
    %dma_start3A_17 = tpu.memref_squeeze %dma_start3A_16 : memref<1x1x128xi32, #tpu.memory_space<hbm>> -> memref<128xi32, #tpu.memory_space<hbm>>
    tpu.enqueue_dma source(%dma_start3A_17 : memref<128xi32, #tpu.memory_space<hbm>>) target(%arg8 : memref<128xi32, #tpu.memory_space<vmem>>) target_semaphore(%arg16 : memref<!tpu.dma_semaphore, #tpu.memory_space<semaphore_mem>>)
    %dma_wait3A = arith.constant 0 : i32
    %dma_wait3A_18 = arith.constant 0 : i32
    %dma_wait3A_19 = tpu.memref_slice %arg3[%add3A, %dma_wait3A, %dma_wait3A_18] : memref<32x84x128xi32, #tpu.memory_space<hbm>> -> memref<1x1x128xi32, #tpu.memory_space<hbm>>
    %dma_wait3A_20 = tpu.memref_squeeze %dma_wait3A_19 : memref<1x1x128xi32, #tpu.memory_space<hbm>> -> memref<128xi32, #tpu.memory_space<hbm>>
    %dma_wait3A_21 = arith.constant 0 : i32
    %dma_wait3A_22 = tpu.memref_slice %arg3[%add3A, %dma_wait3A, %dma_wait3A_21] : memref<32x84x128xi32, #tpu.memory_space<hbm>> -> memref<1x1x128xi32, #tpu.memory_space<hbm>>
    %dma_wait3A_23 = tpu.memref_squeeze %dma_wait3A_22 : memref<1x1x128xi32, #tpu.memory_space<hbm>> -> memref<128xi32, #tpu.memory_space<hbm>>
    tpu.wait_dma2 semaphore(%arg16 : memref<!tpu.dma_semaphore, #tpu.memory_space<semaphore_mem>>) src(%dma_wait3A_23 : memref<128xi32, #tpu.memory_space<hbm>>) dst(%arg7 : memref<128xi32, #tpu.memory_space<vmem>>)
    %dma_wait3A_24 = arith.constant 0 : i32
    %dma_wait3A_25 = arith.constant 0 : i32
    %dma_wait3A_26 = tpu.memref_slice %arg4[%add3A, %dma_wait3A_24, %dma_wait3A_25] : memref<32x84x128xi32, #tpu.memory_space<hbm>> -> memref<1x1x128xi32, #tpu.memory_space<hbm>>
    %dma_wait3A_27 = tpu.memref_squeeze %dma_wait3A_26 : memref<1x1x128xi32, #tpu.memory_space<hbm>> -> memref<128xi32, #tpu.memory_space<hbm>>
    %dma_wait3A_28 = arith.constant 0 : i32
    %dma_wait3A_29 = tpu.memref_slice %arg4[%add3A, %dma_wait3A_24, %dma_wait3A_28] : memref<32x84x128xi32, #tpu.memory_space<hbm>> -> memref<1x1x128xi32, #tpu.memory_space<hbm>>
    %dma_wait3A_30 = tpu.memref_squeeze %dma_wait3A_29 : memref<1x1x128xi32, #tpu.memory_space<hbm>> -> memref<128xi32, #tpu.memory_space<hbm>>
    tpu.wait_dma2 semaphore(%arg16 : memref<!tpu.dma_semaphore, #tpu.memory_space<semaphore_mem>>) src(%dma_wait3A_30 : memref<128xi32, #tpu.memory_space<hbm>>) dst(%arg8 : memref<128xi32, #tpu.memory_space<vmem>>)
    %dma_start3A_31 = arith.constant 0 : i32
    %dma_start3A_32 = arith.constant 0 : i32
    %dma_start3A_33 = tpu.memref_slice %arg2[%dma_start3A_31, %dma_start3A_32] : memref<10000x128xf32, #tpu.memory_space<hbm>> -> memref<10000x128xf32, #tpu.memory_space<hbm>>
    tpu.enqueue_indirect_dma source(%dma_start3A_33 : memref<10000x128xf32, #tpu.memory_space<hbm>>) target(%arg11 : memref<128x128xf32, #tpu.memory_space<vmem>>) offsets(%arg7 : memref<128xi32, #tpu.memory_space<vmem>>) semaphore(%arg14 : memref<!tpu.dma_semaphore, #tpu.memory_space<semaphore_mem>>)
    %dma_start3A_34 = arith.constant 1 : i32
    %dma_start3A_35 = arith.constant 0 : i32
    %dma_start3A_36 = tpu.memref_slice %arg3[%add3A, %dma_start3A_34, %dma_start3A_35] : memref<32x84x128xi32, #tpu.memory_space<hbm>> -> memref<1x1x128xi32, #tpu.memory_space<hbm>>
    %dma_start3A_37 = tpu.memref_squeeze %dma_start3A_36 : memref<1x1x128xi32, #tpu.memory_space<hbm>> -> memref<128xi32, #tpu.memory_space<hbm>>
    %dma_start3A_38 = arith.constant 0 : i32
    %dma_start3A_39 = tpu.memref_slice %arg3[%add3A, %dma_start3A_34, %dma_start3A_38] : memref<32x84x128xi32, #tpu.memory_space<hbm>> -> memref<1x1x128xi32, #tpu.memory_space<hbm>>
    %dma_start3A_40 = tpu.memref_squeeze %dma_start3A_39 : memref<1x1x128xi32, #tpu.memory_space<hbm>> -> memref<128xi32, #tpu.memory_space<hbm>>
    tpu.enqueue_dma source(%dma_start3A_40 : memref<128xi32, #tpu.memory_space<hbm>>) target(%arg9 : memref<128xi32, #tpu.memory_space<vmem>>) target_semaphore(%arg17 : memref<!tpu.dma_semaphore, #tpu.memory_space<semaphore_mem>>)
    %dma_start3A_41 = arith.constant 1 : i32
    %dma_start3A_42 = arith.constant 0 : i32
    %dma_start3A_43 = tpu.memref_slice %arg4[%add3A, %dma_start3A_41, %dma_start3A_42] : memref<32x84x128xi32, #tpu.memory_space<hbm>> -> memref<1x1x128xi32, #tpu.memory_space<hbm>>
    %dma_start3A_44 = tpu.memref_squeeze %dma_start3A_43 : memref<1x1x128xi32, #tpu.memory_space<hbm>> -> memref<128xi32, #tpu.memory_space<hbm>>
    %dma_start3A_45 = arith.constant 0 : i32
    %dma_start3A_46 = tpu.memref_slice %arg4[%add3A, %dma_start3A_41, %dma_start3A_45] : memref<32x84x128xi32, #tpu.memory_space<hbm>> -> memref<1x1x128xi32, #tpu.memory_space<hbm>>
    %dma_start3A_47 = tpu.memref_squeeze %dma_start3A_46 : memref<1x1x128xi32, #tpu.memory_space<hbm>> -> memref<128xi32, #tpu.memory_space<hbm>>
    tpu.enqueue_dma source(%dma_start3A_47 : memref<128xi32, #tpu.memory_space<hbm>>) target(%arg10 : memref<128xi32, #tpu.memory_space<vmem>>) target_semaphore(%arg17 : memref<!tpu.dma_semaphore, #tpu.memory_space<semaphore_mem>>)
    %jit3A_48 = arith.constant 2 : i32
    %div3A = arith.divsi %select_n3A, %jit3A_48 : i32
    %sign3A = arith.constant 0 : i32
    %sign3A_49 = arith.cmpi sgt, %select_n3A, %sign3A : i32
    %sign3A_50 = arith.extui %sign3A_49 : i1 to i32
    %sign3A_51 = arith.constant 0 : i32
    %sign3A_52 = arith.cmpi slt, %select_n3A, %sign3A_51 : i32
    %sign3A_53 = arith.extui %sign3A_52 : i1 to i32
    %sign3A_54 = arith.subi %sign3A_50, %sign3A_53 : i32
    %sign3A_55 = arith.constant 0 : i32
    %sign3A_56 = arith.cmpi sgt, %jit3A_48, %sign3A_55 : i32
    %sign3A_57 = arith.extui %sign3A_56 : i1 to i32
    %sign3A_58 = arith.constant 0 : i32
    %sign3A_59 = arith.cmpi slt, %jit3A_48, %sign3A_58 : i32
    %sign3A_60 = arith.extui %sign3A_59 : i1 to i32
    %sign3A_61 = arith.subi %sign3A_57, %sign3A_60 : i32
    %ne3A = arith.cmpi ne, %sign3A_54, %sign3A_61 : i32
    %rem3A = arith.remsi %select_n3A, %jit3A_48 : i32
    %ne3A_62 = arith.constant 0 : i32
    %ne3A_63 = arith.cmpi ne, %rem3A, %ne3A_62 : i32
    %and3A = arith.andi %ne3A, %ne3A_63 : i1
    %sub3A = arith.constant 1 : i32
    %sub3A_64 = arith.subi %div3A, %sub3A : i32
    %select_n3A_65 = arith.select %and3A, %sub3A_64, %div3A : i32
    %while3A = arith.constant 0 : i32
    %while3A_66 = arith.constant 0 : i32
    %while3A_67 = arith.subi %select_n3A_65, %while3A_66 : i32
    %while3A_68 = arith.addi %while3A_66, %while3A_67 : i32
    %while3A_69 = arith.constant 1 : i32
    %while3A_70 = arith.divsi %while3A_67, %while3A_69 : i32
    %while3A_71 = arith.muli %while3A_70, %while3A_69 : i32
    %while3A_72 = arith.addi %while3A_66, %while3A_71 : i32
    %while3A_73 = arith.constant 1 : i32
    scf.for %while3A_98 = %while3A_66 to %while3A_72 step %while3A_73  : i32 {
      %mul3A_99 = arith.constant 2 : i32
      %mul3A_100 = arith.muli %mul3A_99, %while3A_98 : i32
      %add3A_101 = arith.constant 1 : i32
      %add3A_102 = arith.addi %mul3A_100, %add3A_101 : i32
      %dma_wait3A_103 = arith.constant 0 : i32
      %dma_wait3A_104 = arith.constant 0 : i32
      %dma_wait3A_105 = tpu.memref_slice %arg3[%add3A, %dma_wait3A_103, %dma_wait3A_104] : memref<32x84x128xi32, #tpu.memory_space<hbm>> -> memref<1x1x128xi32, #tpu.memory_space<hbm>>
      %dma_wait3A_106 = tpu.memref_squeeze %dma_wait3A_105 : memref<1x1x128xi32, #tpu.memory_space<hbm>> -> memref<128xi32, #tpu.memory_space<hbm>>
      %dma_wait3A_107 = arith.constant 0 : i32
      %dma_wait3A_108 = tpu.memref_slice %arg3[%add3A, %dma_wait3A_103, %dma_wait3A_107] : memref<32x84x128xi32, #tpu.memory_space<hbm>> -> memref<1x1x128xi32, #tpu.memory_space<hbm>>
      %dma_wait3A_109 = tpu.memref_squeeze %dma_wait3A_108 : memref<1x1x128xi32, #tpu.memory_space<hbm>> -> memref<128xi32, #tpu.memory_space<hbm>>
      tpu.wait_dma2 semaphore(%arg17 : memref<!tpu.dma_semaphore, #tpu.memory_space<semaphore_mem>>) src(%dma_wait3A_109 : memref<128xi32, #tpu.memory_space<hbm>>) dst(%arg9 : memref<128xi32, #tpu.memory_space<vmem>>)
      %dma_wait3A_110 = arith.constant 0 : i32
      %dma_wait3A_111 = arith.constant 0 : i32
      %dma_wait3A_112 = tpu.memref_slice %arg4[%add3A, %dma_wait3A_110, %dma_wait3A_111] : memref<32x84x128xi32, #tpu.memory_space<hbm>> -> memref<1x1x128xi32, #tpu.memory_space<hbm>>
      %dma_wait3A_113 = tpu.memref_squeeze %dma_wait3A_112 : memref<1x1x128xi32, #tpu.memory_space<hbm>> -> memref<128xi32, #tpu.memory_space<hbm>>
      %dma_wait3A_114 = arith.constant 0 : i32
      %dma_wait3A_115 = tpu.memref_slice %arg4[%add3A, %dma_wait3A_110, %dma_wait3A_114] : memref<32x84x128xi32, #tpu.memory_space<hbm>> -> memref<1x1x128xi32, #tpu.memory_space<hbm>>
      %dma_wait3A_116 = tpu.memref_squeeze %dma_wait3A_115 : memref<1x1x128xi32, #tpu.memory_space<hbm>> -> memref<128xi32, #tpu.memory_space<hbm>>
      tpu.wait_dma2 semaphore(%arg17 : memref<!tpu.dma_semaphore, #tpu.memory_space<semaphore_mem>>) src(%dma_wait3A_116 : memref<128xi32, #tpu.memory_space<hbm>>) dst(%arg10 : memref<128xi32, #tpu.memory_space<vmem>>)
      %dma_start3A_117 = arith.constant 0 : i32
      %dma_start3A_118 = arith.constant 0 : i32
      %dma_start3A_119 = tpu.memref_slice %arg2[%dma_start3A_117, %dma_start3A_118] : memref<10000x128xf32, #tpu.memory_space<hbm>> -> memref<10000x128xf32, #tpu.memory_space<hbm>>
      tpu.enqueue_indirect_dma source(%dma_start3A_119 : memref<10000x128xf32, #tpu.memory_space<hbm>>) target(%arg12 : memref<128x128xf32, #tpu.memory_space<vmem>>) offsets(%arg9 : memref<128xi32, #tpu.memory_space<vmem>>) semaphore(%arg15 : memref<!tpu.dma_semaphore, #tpu.memory_space<semaphore_mem>>)
      %dma_wait3A_120 = arith.constant 0 : i32
      %dma_wait3A_121 = arith.constant 0 : i32
      %dma_wait3A_122 = tpu.memref_slice %arg2[%dma_wait3A_120, %dma_wait3A_121] : memref<10000x128xf32, #tpu.memory_space<hbm>> -> memref<10000x128xf32, #tpu.memory_space<hbm>>
      tpu.wait_indirect_dma semaphore(%arg14 : memref<!tpu.dma_semaphore, #tpu.memory_space<semaphore_mem>>) src(%dma_wait3A_122 : memref<10000x128xf32, #tpu.memory_space<hbm>>) dst(%arg11 : memref<128x128xf32, #tpu.memory_space<vmem>>)
      %add3A_123 = arith.constant 2 : i32
      %add3A_124 = arith.addi %mul3A_100, %add3A_123 : i32
      %lt3A_125 = arith.cmpi slt, %add3A_124, %select_n3A : i32
      %convert_element_type3A_126 = arith.extui %lt3A_125 : i1 to i32
      %cond3A_127 = arith.constant 0 : i32
      %cond3A_128 = arith.cmpi ne, %convert_element_type3A_126, %cond3A_127 : i32
      scf.if %cond3A_128 {
        %add3A_144 = arith.constant 2 : i32
        %add3A_145 = arith.addi %mul3A_100, %add3A_144 : i32
        %dma_start3A_146 = arith.constant 0 : i32
        %dma_start3A_147 = tpu.memref_slice %arg3[%add3A, %add3A_145, %dma_start3A_146] : memref<32x84x128xi32, #tpu.memory_space<hbm>> -> memref<1x1x128xi32, #tpu.memory_space<hbm>>
        %dma_start3A_148 = tpu.memref_squeeze %dma_start3A_147 : memref<1x1x128xi32, #tpu.memory_space<hbm>> -> memref<128xi32, #tpu.memory_space<hbm>>
        %dma_start3A_149 = arith.constant 0 : i32
        %dma_start3A_150 = tpu.memref_slice %arg3[%add3A, %add3A_145, %dma_start3A_149] : memref<32x84x128xi32, #tpu.memory_space<hbm>> -> memref<1x1x128xi32, #tpu.memory_space<hbm>>
        %dma_start3A_151 = tpu.memref_squeeze %dma_start3A_150 : memref<1x1x128xi32, #tpu.memory_space<hbm>> -> memref<128xi32, #tpu.memory_space<hbm>>
        tpu.enqueue_dma source(%dma_start3A_151 : memref<128xi32, #tpu.memory_space<hbm>>) target(%arg7 : memref<128xi32, #tpu.memory_space<vmem>>) target_semaphore(%arg16 : memref<!tpu.dma_semaphore, #tpu.memory_space<semaphore_mem>>)
      } else {
      }
      "tpu.region"() ({
        %run_scoped3A = tpu.sem_alloc : memref<!tpu.dma_semaphore, #tpu.memory_space<semaphore_mem>>
        %dma_start3A_144 = arith.constant 0 : i32
        %dma_start3A_145 = arith.constant 0 : i32
        %dma_start3A_146 = tpu.memref_slice %arg13[%dma_start3A_144, %dma_start3A_145] : memref<10240x128xf32, #tpu.memory_space<vmem_shared>> -> memref<10240x128xf32, #tpu.memory_space<vmem_shared>>
        tpu.enqueue_indirect_dma source(%arg11 : memref<128x128xf32, #tpu.memory_space<vmem>>) target(%dma_start3A_146 : memref<10240x128xf32, #tpu.memory_space<vmem_shared>>) offsets(%arg8 : memref<128xi32, #tpu.memory_space<vmem>>) semaphore(%run_scoped3A : memref<!tpu.dma_semaphore, #tpu.memory_space<semaphore_mem>>) {add = true}
        %dma_wait3A_147 = arith.constant 0 : i32
        %dma_wait3A_148 = arith.constant 0 : i32
        %dma_wait3A_149 = tpu.memref_slice %arg13[%dma_wait3A_147, %dma_wait3A_148] : memref<10240x128xf32, #tpu.memory_space<vmem_shared>> -> memref<10240x128xf32, #tpu.memory_space<vmem_shared>>
        tpu.wait_indirect_dma semaphore(%run_scoped3A : memref<!tpu.dma_semaphore, #tpu.memory_space<semaphore_mem>>) src(%arg11 : memref<128x128xf32, #tpu.memory_space<vmem>>) dst(%dma_wait3A_149 : memref<10240x128xf32, #tpu.memory_space<vmem_shared>>)
        tpu.yield
      }) : () -> ()
      %add3A_129 = arith.constant 2 : i32
      %add3A_130 = arith.addi %mul3A_100, %add3A_129 : i32
      %lt3A_131 = arith.cmpi slt, %add3A_130, %select_n3A : i32
      %convert_element_type3A_132 = arith.extui %lt3A_131 : i1 to i32
      %cond3A_133 = arith.constant 0 : i32
      %cond3A_134 = arith.cmpi ne, %convert_element_type3A_132, %cond3A_133 : i32
      scf.if %cond3A_134 {
        %add3A_144 = arith.constant 2 : i32
        %add3A_145 = arith.addi %mul3A_100, %add3A_144 : i32
        %dma_start3A_146 = arith.constant 0 : i32
        %dma_start3A_147 = tpu.memref_slice %arg4[%add3A, %add3A_145, %dma_start3A_146] : memref<32x84x128xi32, #tpu.memory_space<hbm>> -> memref<1x1x128xi32, #tpu.memory_space<hbm>>
        %dma_start3A_148 = tpu.memref_squeeze %dma_start3A_147 : memref<1x1x128xi32, #tpu.memory_space<hbm>> -> memref<128xi32, #tpu.memory_space<hbm>>
        %dma_start3A_149 = arith.constant 0 : i32
        %dma_start3A_150 = tpu.memref_slice %arg4[%add3A, %add3A_145, %dma_start3A_149] : memref<32x84x128xi32, #tpu.memory_space<hbm>> -> memref<1x1x128xi32, #tpu.memory_space<hbm>>
        %dma_start3A_151 = tpu.memref_squeeze %dma_start3A_150 : memref<1x1x128xi32, #tpu.memory_space<hbm>> -> memref<128xi32, #tpu.memory_space<hbm>>
        tpu.enqueue_dma source(%dma_start3A_151 : memref<128xi32, #tpu.memory_space<hbm>>) target(%arg8 : memref<128xi32, #tpu.memory_space<vmem>>) target_semaphore(%arg16 : memref<!tpu.dma_semaphore, #tpu.memory_space<semaphore_mem>>)
        %dma_wait3A_152 = arith.constant 0 : i32
        %dma_wait3A_153 = arith.constant 0 : i32
        %dma_wait3A_154 = tpu.memref_slice %arg3[%add3A, %dma_wait3A_152, %dma_wait3A_153] : memref<32x84x128xi32, #tpu.memory_space<hbm>> -> memref<1x1x128xi32, #tpu.memory_space<hbm>>
        %dma_wait3A_155 = tpu.memref_squeeze %dma_wait3A_154 : memref<1x1x128xi32, #tpu.memory_space<hbm>> -> memref<128xi32, #tpu.memory_space<hbm>>
        %dma_wait3A_156 = arith.constant 0 : i32
        %dma_wait3A_157 = tpu.memref_slice %arg3[%add3A, %dma_wait3A_152, %dma_wait3A_156] : memref<32x84x128xi32, #tpu.memory_space<hbm>> -> memref<1x1x128xi32, #tpu.memory_space<hbm>>
        %dma_wait3A_158 = tpu.memref_squeeze %dma_wait3A_157 : memref<1x1x128xi32, #tpu.memory_space<hbm>> -> memref<128xi32, #tpu.memory_space<hbm>>
        tpu.wait_dma2 semaphore(%arg16 : memref<!tpu.dma_semaphore, #tpu.memory_space<semaphore_mem>>) src(%dma_wait3A_158 : memref<128xi32, #tpu.memory_space<hbm>>) dst(%arg7 : memref<128xi32, #tpu.memory_space<vmem>>)
        %dma_wait3A_159 = arith.constant 0 : i32
        %dma_wait3A_160 = arith.constant 0 : i32
        %dma_wait3A_161 = tpu.memref_slice %arg4[%add3A, %dma_wait3A_159, %dma_wait3A_160] : memref<32x84x128xi32, #tpu.memory_space<hbm>> -> memref<1x1x128xi32, #tpu.memory_space<hbm>>
        %dma_wait3A_162 = tpu.memref_squeeze %dma_wait3A_161 : memref<1x1x128xi32, #tpu.memory_space<hbm>> -> memref<128xi32, #tpu.memory_space<hbm>>
        %dma_wait3A_163 = arith.constant 0 : i32
        %dma_wait3A_164 = tpu.memref_slice %arg4[%add3A, %dma_wait3A_159, %dma_wait3A_163] : memref<32x84x128xi32, #tpu.memory_space<hbm>> -> memref<1x1x128xi32, #tpu.memory_space<hbm>>
        %dma_wait3A_165 = tpu.memref_squeeze %dma_wait3A_164 : memref<1x1x128xi32, #tpu.memory_space<hbm>> -> memref<128xi32, #tpu.memory_space<hbm>>
        tpu.wait_dma2 semaphore(%arg16 : memref<!tpu.dma_semaphore, #tpu.memory_space<semaphore_mem>>) src(%dma_wait3A_165 : memref<128xi32, #tpu.memory_space<hbm>>) dst(%arg8 : memref<128xi32, #tpu.memory_space<vmem>>)
        %dma_start3A_166 = arith.constant 0 : i32
        %dma_start3A_167 = arith.constant 0 : i32
        %dma_start3A_168 = tpu.memref_slice %arg2[%dma_start3A_166, %dma_start3A_167] : memref<10000x128xf32, #tpu.memory_space<hbm>> -> memref<10000x128xf32, #tpu.memory_space<hbm>>
        tpu.enqueue_indirect_dma source(%dma_start3A_168 : memref<10000x128xf32, #tpu.memory_space<hbm>>) target(%arg11 : memref<128x128xf32, #tpu.memory_space<vmem>>) offsets(%arg7 : memref<128xi32, #tpu.memory_space<vmem>>) semaphore(%arg14 : memref<!tpu.dma_semaphore, #tpu.memory_space<semaphore_mem>>)
      } else {
      }
      %dma_wait3A_135 = arith.constant 0 : i32
      %dma_wait3A_136 = arith.constant 0 : i32
      %dma_wait3A_137 = tpu.memref_slice %arg2[%dma_wait3A_135, %dma_wait3A_136] : memref<10000x128xf32, #tpu.memory_space<hbm>> -> memref<10000x128xf32, #tpu.memory_space<hbm>>
      tpu.wait_indirect_dma semaphore(%arg15 : memref<!tpu.dma_semaphore, #tpu.memory_space<semaphore_mem>>) src(%dma_wait3A_137 : memref<10000x128xf32, #tpu.memory_space<hbm>>) dst(%arg12 : memref<128x128xf32, #tpu.memory_space<vmem>>)
      "tpu.region"() ({
        %run_scoped3A = tpu.sem_alloc : memref<!tpu.dma_semaphore, #tpu.memory_space<semaphore_mem>>
        %dma_start3A_144 = arith.constant 0 : i32
        %dma_start3A_145 = arith.constant 0 : i32
        %dma_start3A_146 = tpu.memref_slice %arg13[%dma_start3A_144, %dma_start3A_145] : memref<10240x128xf32, #tpu.memory_space<vmem_shared>> -> memref<10240x128xf32, #tpu.memory_space<vmem_shared>>
        tpu.enqueue_indirect_dma source(%arg12 : memref<128x128xf32, #tpu.memory_space<vmem>>) target(%dma_start3A_146 : memref<10240x128xf32, #tpu.memory_space<vmem_shared>>) offsets(%arg10 : memref<128xi32, #tpu.memory_space<vmem>>) semaphore(%run_scoped3A : memref<!tpu.dma_semaphore, #tpu.memory_space<semaphore_mem>>) {add = true}
        %dma_wait3A_147 = arith.constant 0 : i32
        %dma_wait3A_148 = arith.constant 0 : i32
        %dma_wait3A_149 = tpu.memref_slice %arg13[%dma_wait3A_147, %dma_wait3A_148] : memref<10240x128xf32, #tpu.memory_space<vmem_shared>> -> memref<10240x128xf32, #tpu.memory_space<vmem_shared>>
        tpu.wait_indirect_dma semaphore(%run_scoped3A : memref<!tpu.dma_semaphore, #tpu.memory_space<semaphore_mem>>) src(%arg12 : memref<128x128xf32, #tpu.memory_space<vmem>>) dst(%dma_wait3A_149 : memref<10240x128xf32, #tpu.memory_space<vmem_shared>>)
        tpu.yield
      }) : () -> ()
      %add3A_138 = arith.constant 2 : i32
      %add3A_139 = arith.addi %add3A_102, %add3A_138 : i32
      %lt3A_140 = arith.cmpi slt, %add3A_139, %select_n3A : i32
      %convert_element_type3A_141 = arith.extui %lt3A_140 : i1 to i32
      %cond3A_142 = arith.constant 0 : i32
      %cond3A_143 = arith.cmpi ne, %convert_element_type3A_141, %cond3A_142 : i32
      scf.if %cond3A_143 {
        %add3A_144 = arith.constant 2 : i32
        %add3A_145 = arith.addi %add3A_102, %add3A_144 : i32
        %dma_start3A_146 = arith.constant 0 : i32
        %dma_start3A_147 = tpu.memref_slice %arg3[%add3A, %add3A_145, %dma_start3A_146] : memref<32x84x128xi32, #tpu.memory_space<hbm>> -> memref<1x1x128xi32, #tpu.memory_space<hbm>>
        %dma_start3A_148 = tpu.memref_squeeze %dma_start3A_147 : memref<1x1x128xi32, #tpu.memory_space<hbm>> -> memref<128xi32, #tpu.memory_space<hbm>>
        %dma_start3A_149 = arith.constant 0 : i32
        %dma_start3A_150 = tpu.memref_slice %arg3[%add3A, %add3A_145, %dma_start3A_149] : memref<32x84x128xi32, #tpu.memory_space<hbm>> -> memref<1x1x128xi32, #tpu.memory_space<hbm>>
        %dma_start3A_151 = tpu.memref_squeeze %dma_start3A_150 : memref<1x1x128xi32, #tpu.memory_space<hbm>> -> memref<128xi32, #tpu.memory_space<hbm>>
        tpu.enqueue_dma source(%dma_start3A_151 : memref<128xi32, #tpu.memory_space<hbm>>) target(%arg9 : memref<128xi32, #tpu.memory_space<vmem>>) target_semaphore(%arg17 : memref<!tpu.dma_semaphore, #tpu.memory_space<semaphore_mem>>)
        %dma_start3A_152 = arith.constant 0 : i32
        %dma_start3A_153 = tpu.memref_slice %arg4[%add3A, %add3A_145, %dma_start3A_152] : memref<32x84x128xi32, #tpu.memory_space<hbm>> -> memref<1x1x128xi32, #tpu.memory_space<hbm>>
        %dma_start3A_154 = tpu.memref_squeeze %dma_start3A_153 : memref<1x1x128xi32, #tpu.memory_space<hbm>> -> memref<128xi32, #tpu.memory_space<hbm>>
        %dma_start3A_155 = arith.constant 0 : i32
        %dma_start3A_156 = tpu.memref_slice %arg4[%add3A, %add3A_145, %dma_start3A_155] : memref<32x84x128xi32, #tpu.memory_space<hbm>> -> memref<1x1x128xi32, #tpu.memory_space<hbm>>
        %dma_start3A_157 = tpu.memref_squeeze %dma_start3A_156 : memref<1x1x128xi32, #tpu.memory_space<hbm>> -> memref<128xi32, #tpu.memory_space<hbm>>
        tpu.enqueue_dma source(%dma_start3A_157 : memref<128xi32, #tpu.memory_space<hbm>>) target(%arg10 : memref<128xi32, #tpu.memory_space<vmem>>) target_semaphore(%arg17 : memref<!tpu.dma_semaphore, #tpu.memory_space<semaphore_mem>>)
      } else {
      }
    }
    %while3A_74 = arith.constant 1 : i32
    scf.for %while3A_98 = %while3A_72 to %while3A_68 step %while3A_74  : i32 {
      %mul3A_99 = arith.constant 2 : i32
      %mul3A_100 = arith.muli %mul3A_99, %while3A_98 : i32
      %add3A_101 = arith.constant 1 : i32
      %add3A_102 = arith.addi %mul3A_100, %add3A_101 : i32
      %dma_wait3A_103 = arith.constant 0 : i32
      %dma_wait3A_104 = arith.constant 0 : i32
      %dma_wait3A_105 = tpu.memref_slice %arg3[%add3A, %dma_wait3A_103, %dma_wait3A_104] : memref<32x84x128xi32, #tpu.memory_space<hbm>> -> memref<1x1x128xi32, #tpu.memory_space<hbm>>
      %dma_wait3A_106 = tpu.memref_squeeze %dma_wait3A_105 : memref<1x1x128xi32, #tpu.memory_space<hbm>> -> memref<128xi32, #tpu.memory_space<hbm>>
      %dma_wait3A_107 = arith.constant 0 : i32
      %dma_wait3A_108 = tpu.memref_slice %arg3[%add3A, %dma_wait3A_103, %dma_wait3A_107] : memref<32x84x128xi32, #tpu.memory_space<hbm>> -> memref<1x1x128xi32, #tpu.memory_space<hbm>>
      %dma_wait3A_109 = tpu.memref_squeeze %dma_wait3A_108 : memref<1x1x128xi32, #tpu.memory_space<hbm>> -> memref<128xi32, #tpu.memory_space<hbm>>
      tpu.wait_dma2 semaphore(%arg17 : memref<!tpu.dma_semaphore, #tpu.memory_space<semaphore_mem>>) src(%dma_wait3A_109 : memref<128xi32, #tpu.memory_space<hbm>>) dst(%arg9 : memref<128xi32, #tpu.memory_space<vmem>>)
      %dma_wait3A_110 = arith.constant 0 : i32
      %dma_wait3A_111 = arith.constant 0 : i32
      %dma_wait3A_112 = tpu.memref_slice %arg4[%add3A, %dma_wait3A_110, %dma_wait3A_111] : memref<32x84x128xi32, #tpu.memory_space<hbm>> -> memref<1x1x128xi32, #tpu.memory_space<hbm>>
      %dma_wait3A_113 = tpu.memref_squeeze %dma_wait3A_112 : memref<1x1x128xi32, #tpu.memory_space<hbm>> -> memref<128xi32, #tpu.memory_space<hbm>>
      %dma_wait3A_114 = arith.constant 0 : i32
      %dma_wait3A_115 = tpu.memref_slice %arg4[%add3A, %dma_wait3A_110, %dma_wait3A_114] : memref<32x84x128xi32, #tpu.memory_space<hbm>> -> memref<1x1x128xi32, #tpu.memory_space<hbm>>
      %dma_wait3A_116 = tpu.memref_squeeze %dma_wait3A_115 : memref<1x1x128xi32, #tpu.memory_space<hbm>> -> memref<128xi32, #tpu.memory_space<hbm>>
      tpu.wait_dma2 semaphore(%arg17 : memref<!tpu.dma_semaphore, #tpu.memory_space<semaphore_mem>>) src(%dma_wait3A_116 : memref<128xi32, #tpu.memory_space<hbm>>) dst(%arg10 : memref<128xi32, #tpu.memory_space<vmem>>)
      %dma_start3A_117 = arith.constant 0 : i32
      %dma_start3A_118 = arith.constant 0 : i32
      %dma_start3A_119 = tpu.memref_slice %arg2[%dma_start3A_117, %dma_start3A_118] : memref<10000x128xf32, #tpu.memory_space<hbm>> -> memref<10000x128xf32, #tpu.memory_space<hbm>>
      tpu.enqueue_indirect_dma source(%dma_start3A_119 : memref<10000x128xf32, #tpu.memory_space<hbm>>) target(%arg12 : memref<128x128xf32, #tpu.memory_space<vmem>>) offsets(%arg9 : memref<128xi32, #tpu.memory_space<vmem>>) semaphore(%arg15 : memref<!tpu.dma_semaphore, #tpu.memory_space<semaphore_mem>>)
      %dma_wait3A_120 = arith.constant 0 : i32
      %dma_wait3A_121 = arith.constant 0 : i32
      %dma_wait3A_122 = tpu.memref_slice %arg2[%dma_wait3A_120, %dma_wait3A_121] : memref<10000x128xf32, #tpu.memory_space<hbm>> -> memref<10000x128xf32, #tpu.memory_space<hbm>>
      tpu.wait_indirect_dma semaphore(%arg14 : memref<!tpu.dma_semaphore, #tpu.memory_space<semaphore_mem>>) src(%dma_wait3A_122 : memref<10000x128xf32, #tpu.memory_space<hbm>>) dst(%arg11 : memref<128x128xf32, #tpu.memory_space<vmem>>)
      %add3A_123 = arith.constant 2 : i32
      %add3A_124 = arith.addi %mul3A_100, %add3A_123 : i32
      %lt3A_125 = arith.cmpi slt, %add3A_124, %select_n3A : i32
      %convert_element_type3A_126 = arith.extui %lt3A_125 : i1 to i32
      %cond3A_127 = arith.constant 0 : i32
      %cond3A_128 = arith.cmpi ne, %convert_element_type3A_126, %cond3A_127 : i32
      scf.if %cond3A_128 {
        %add3A_144 = arith.constant 2 : i32
        %add3A_145 = arith.addi %mul3A_100, %add3A_144 : i32
        %dma_start3A_146 = arith.constant 0 : i32
        %dma_start3A_147 = tpu.memref_slice %arg3[%add3A, %add3A_145, %dma_start3A_146] : memref<32x84x128xi32, #tpu.memory_space<hbm>> -> memref<1x1x128xi32, #tpu.memory_space<hbm>>
        %dma_start3A_148 = tpu.memref_squeeze %dma_start3A_147 : memref<1x1x128xi32, #tpu.memory_space<hbm>> -> memref<128xi32, #tpu.memory_space<hbm>>
        %dma_start3A_149 = arith.constant 0 : i32
        %dma_start3A_150 = tpu.memref_slice %arg3[%add3A, %add3A_145, %dma_start3A_149] : memref<32x84x128xi32, #tpu.memory_space<hbm>> -> memref<1x1x128xi32, #tpu.memory_space<hbm>>
        %dma_start3A_151 = tpu.memref_squeeze %dma_start3A_150 : memref<1x1x128xi32, #tpu.memory_space<hbm>> -> memref<128xi32, #tpu.memory_space<hbm>>
        tpu.enqueue_dma source(%dma_start3A_151 : memref<128xi32, #tpu.memory_space<hbm>>) target(%arg7 : memref<128xi32, #tpu.memory_space<vmem>>) target_semaphore(%arg16 : memref<!tpu.dma_semaphore, #tpu.memory_space<semaphore_mem>>)
      } else {
      }
      "tpu.region"() ({
        %run_scoped3A = tpu.sem_alloc : memref<!tpu.dma_semaphore, #tpu.memory_space<semaphore_mem>>
        %dma_start3A_144 = arith.constant 0 : i32
        %dma_start3A_145 = arith.constant 0 : i32
        %dma_start3A_146 = tpu.memref_slice %arg13[%dma_start3A_144, %dma_start3A_145] : memref<10240x128xf32, #tpu.memory_space<vmem_shared>> -> memref<10240x128xf32, #tpu.memory_space<vmem_shared>>
        tpu.enqueue_indirect_dma source(%arg11 : memref<128x128xf32, #tpu.memory_space<vmem>>) target(%dma_start3A_146 : memref<10240x128xf32, #tpu.memory_space<vmem_shared>>) offsets(%arg8 : memref<128xi32, #tpu.memory_space<vmem>>) semaphore(%run_scoped3A : memref<!tpu.dma_semaphore, #tpu.memory_space<semaphore_mem>>) {add = true}
        %dma_wait3A_147 = arith.constant 0 : i32
        %dma_wait3A_148 = arith.constant 0 : i32
        %dma_wait3A_149 = tpu.memref_slice %arg13[%dma_wait3A_147, %dma_wait3A_148] : memref<10240x128xf32, #tpu.memory_space<vmem_shared>> -> memref<10240x128xf32, #tpu.memory_space<vmem_shared>>
        tpu.wait_indirect_dma semaphore(%run_scoped3A : memref<!tpu.dma_semaphore, #tpu.memory_space<semaphore_mem>>) src(%arg11 : memref<128x128xf32, #tpu.memory_space<vmem>>) dst(%dma_wait3A_149 : memref<10240x128xf32, #tpu.memory_space<vmem_shared>>)
        tpu.yield
      }) : () -> ()
      %add3A_129 = arith.constant 2 : i32
      %add3A_130 = arith.addi %mul3A_100, %add3A_129 : i32
      %lt3A_131 = arith.cmpi slt, %add3A_130, %select_n3A : i32
      %convert_element_type3A_132 = arith.extui %lt3A_131 : i1 to i32
      %cond3A_133 = arith.constant 0 : i32
      %cond3A_134 = arith.cmpi ne, %convert_element_type3A_132, %cond3A_133 : i32
      scf.if %cond3A_134 {
        %add3A_144 = arith.constant 2 : i32
        %add3A_145 = arith.addi %mul3A_100, %add3A_144 : i32
        %dma_start3A_146 = arith.constant 0 : i32
        %dma_start3A_147 = tpu.memref_slice %arg4[%add3A, %add3A_145, %dma_start3A_146] : memref<32x84x128xi32, #tpu.memory_space<hbm>> -> memref<1x1x128xi32, #tpu.memory_space<hbm>>
        %dma_start3A_148 = tpu.memref_squeeze %dma_start3A_147 : memref<1x1x128xi32, #tpu.memory_space<hbm>> -> memref<128xi32, #tpu.memory_space<hbm>>
        %dma_start3A_149 = arith.constant 0 : i32
        %dma_start3A_150 = tpu.memref_slice %arg4[%add3A, %add3A_145, %dma_start3A_149] : memref<32x84x128xi32, #tpu.memory_space<hbm>> -> memref<1x1x128xi32, #tpu.memory_space<hbm>>
        %dma_start3A_151 = tpu.memref_squeeze %dma_start3A_150 : memref<1x1x128xi32, #tpu.memory_space<hbm>> -> memref<128xi32, #tpu.memory_space<hbm>>
        tpu.enqueue_dma source(%dma_start3A_151 : memref<128xi32, #tpu.memory_space<hbm>>) target(%arg8 : memref<128xi32, #tpu.memory_space<vmem>>) target_semaphore(%arg16 : memref<!tpu.dma_semaphore, #tpu.memory_space<semaphore_mem>>)
        %dma_wait3A_152 = arith.constant 0 : i32
        %dma_wait3A_153 = arith.constant 0 : i32
        %dma_wait3A_154 = tpu.memref_slice %arg3[%add3A, %dma_wait3A_152, %dma_wait3A_153] : memref<32x84x128xi32, #tpu.memory_space<hbm>> -> memref<1x1x128xi32, #tpu.memory_space<hbm>>
        %dma_wait3A_155 = tpu.memref_squeeze %dma_wait3A_154 : memref<1x1x128xi32, #tpu.memory_space<hbm>> -> memref<128xi32, #tpu.memory_space<hbm>>
        %dma_wait3A_156 = arith.constant 0 : i32
        %dma_wait3A_157 = tpu.memref_slice %arg3[%add3A, %dma_wait3A_152, %dma_wait3A_156] : memref<32x84x128xi32, #tpu.memory_space<hbm>> -> memref<1x1x128xi32, #tpu.memory_space<hbm>>
        %dma_wait3A_158 = tpu.memref_squeeze %dma_wait3A_157 : memref<1x1x128xi32, #tpu.memory_space<hbm>> -> memref<128xi32, #tpu.memory_space<hbm>>
        tpu.wait_dma2 semaphore(%arg16 : memref<!tpu.dma_semaphore, #tpu.memory_space<semaphore_mem>>) src(%dma_wait3A_158 : memref<128xi32, #tpu.memory_space<hbm>>) dst(%arg7 : memref<128xi32, #tpu.memory_space<vmem>>)
        %dma_wait3A_159 = arith.constant 0 : i32
        %dma_wait3A_160 = arith.constant 0 : i32
        %dma_wait3A_161 = tpu.memref_slice %arg4[%add3A, %dma_wait3A_159, %dma_wait3A_160] : memref<32x84x128xi32, #tpu.memory_space<hbm>> -> memref<1x1x128xi32, #tpu.memory_space<hbm>>
        %dma_wait3A_162 = tpu.memref_squeeze %dma_wait3A_161 : memref<1x1x128xi32, #tpu.memory_space<hbm>> -> memref<128xi32, #tpu.memory_space<hbm>>
        %dma_wait3A_163 = arith.constant 0 : i32
        %dma_wait3A_164 = tpu.memref_slice %arg4[%add3A, %dma_wait3A_159, %dma_wait3A_163] : memref<32x84x128xi32, #tpu.memory_space<hbm>> -> memref<1x1x128xi32, #tpu.memory_space<hbm>>
        %dma_wait3A_165 = tpu.memref_squeeze %dma_wait3A_164 : memref<1x1x128xi32, #tpu.memory_space<hbm>> -> memref<128xi32, #tpu.memory_space<hbm>>
        tpu.wait_dma2 semaphore(%arg16 : memref<!tpu.dma_semaphore, #tpu.memory_space<semaphore_mem>>) src(%dma_wait3A_165 : memref<128xi32, #tpu.memory_space<hbm>>) dst(%arg8 : memref<128xi32, #tpu.memory_space<vmem>>)
        %dma_start3A_166 = arith.constant 0 : i32
        %dma_start3A_167 = arith.constant 0 : i32
        %dma_start3A_168 = tpu.memref_slice %arg2[%dma_start3A_166, %dma_start3A_167] : memref<10000x128xf32, #tpu.memory_space<hbm>> -> memref<10000x128xf32, #tpu.memory_space<hbm>>
        tpu.enqueue_indirect_dma source(%dma_start3A_168 : memref<10000x128xf32, #tpu.memory_space<hbm>>) target(%arg11 : memref<128x128xf32, #tpu.memory_space<vmem>>) offsets(%arg7 : memref<128xi32, #tpu.memory_space<vmem>>) semaphore(%arg14 : memref<!tpu.dma_semaphore, #tpu.memory_space<semaphore_mem>>)
      } else {
      }
      %dma_wait3A_135 = arith.constant 0 : i32
      %dma_wait3A_136 = arith.constant 0 : i32
      %dma_wait3A_137 = tpu.memref_slice %arg2[%dma_wait3A_135, %dma_wait3A_136] : memref<10000x128xf32, #tpu.memory_space<hbm>> -> memref<10000x128xf32, #tpu.memory_space<hbm>>
      tpu.wait_indirect_dma semaphore(%arg15 : memref<!tpu.dma_semaphore, #tpu.memory_space<semaphore_mem>>) src(%dma_wait3A_137 : memref<10000x128xf32, #tpu.memory_space<hbm>>) dst(%arg12 : memref<128x128xf32, #tpu.memory_space<vmem>>)
      "tpu.region"() ({
        %run_scoped3A = tpu.sem_alloc : memref<!tpu.dma_semaphore, #tpu.memory_space<semaphore_mem>>
        %dma_start3A_144 = arith.constant 0 : i32
        %dma_start3A_145 = arith.constant 0 : i32
        %dma_start3A_146 = tpu.memref_slice %arg13[%dma_start3A_144, %dma_start3A_145] : memref<10240x128xf32, #tpu.memory_space<vmem_shared>> -> memref<10240x128xf32, #tpu.memory_space<vmem_shared>>
        tpu.enqueue_indirect_dma source(%arg12 : memref<128x128xf32, #tpu.memory_space<vmem>>) target(%dma_start3A_146 : memref<10240x128xf32, #tpu.memory_space<vmem_shared>>) offsets(%arg10 : memref<128xi32, #tpu.memory_space<vmem>>) semaphore(%run_scoped3A : memref<!tpu.dma_semaphore, #tpu.memory_space<semaphore_mem>>) {add = true}
        %dma_wait3A_147 = arith.constant 0 : i32
        %dma_wait3A_148 = arith.constant 0 : i32
        %dma_wait3A_149 = tpu.memref_slice %arg13[%dma_wait3A_147, %dma_wait3A_148] : memref<10240x128xf32, #tpu.memory_space<vmem_shared>> -> memref<10240x128xf32, #tpu.memory_space<vmem_shared>>
        tpu.wait_indirect_dma semaphore(%run_scoped3A : memref<!tpu.dma_semaphore, #tpu.memory_space<semaphore_mem>>) src(%arg12 : memref<128x128xf32, #tpu.memory_space<vmem>>) dst(%dma_wait3A_149 : memref<10240x128xf32, #tpu.memory_space<vmem_shared>>)
        tpu.yield
      }) : () -> ()
      %add3A_138 = arith.constant 2 : i32
      %add3A_139 = arith.addi %add3A_102, %add3A_138 : i32
      %lt3A_140 = arith.cmpi slt, %add3A_139, %select_n3A : i32
      %convert_element_type3A_141 = arith.extui %lt3A_140 : i1 to i32
      %cond3A_142 = arith.constant 0 : i32
      %cond3A_143 = arith.cmpi ne, %convert_element_type3A_141, %cond3A_142 : i32
      scf.if %cond3A_143 {
        %add3A_144 = arith.constant 2 : i32
        %add3A_145 = arith.addi %add3A_102, %add3A_144 : i32
        %dma_start3A_146 = arith.constant 0 : i32
        %dma_start3A_147 = tpu.memref_slice %arg3[%add3A, %add3A_145, %dma_start3A_146] : memref<32x84x128xi32, #tpu.memory_space<hbm>> -> memref<1x1x128xi32, #tpu.memory_space<hbm>>
        %dma_start3A_148 = tpu.memref_squeeze %dma_start3A_147 : memref<1x1x128xi32, #tpu.memory_space<hbm>> -> memref<128xi32, #tpu.memory_space<hbm>>
        %dma_start3A_149 = arith.constant 0 : i32
        %dma_start3A_150 = tpu.memref_slice %arg3[%add3A, %add3A_145, %dma_start3A_149] : memref<32x84x128xi32, #tpu.memory_space<hbm>> -> memref<1x1x128xi32, #tpu.memory_space<hbm>>
        %dma_start3A_151 = tpu.memref_squeeze %dma_start3A_150 : memref<1x1x128xi32, #tpu.memory_space<hbm>> -> memref<128xi32, #tpu.memory_space<hbm>>
        tpu.enqueue_dma source(%dma_start3A_151 : memref<128xi32, #tpu.memory_space<hbm>>) target(%arg9 : memref<128xi32, #tpu.memory_space<vmem>>) target_semaphore(%arg17 : memref<!tpu.dma_semaphore, #tpu.memory_space<semaphore_mem>>)
        %dma_start3A_152 = arith.constant 0 : i32
        %dma_start3A_153 = tpu.memref_slice %arg4[%add3A, %add3A_145, %dma_start3A_152] : memref<32x84x128xi32, #tpu.memory_space<hbm>> -> memref<1x1x128xi32, #tpu.memory_space<hbm>>
        %dma_start3A_154 = tpu.memref_squeeze %dma_start3A_153 : memref<1x1x128xi32, #tpu.memory_space<hbm>> -> memref<128xi32, #tpu.memory_space<hbm>>
        %dma_start3A_155 = arith.constant 0 : i32
        %dma_start3A_156 = tpu.memref_slice %arg4[%add3A, %add3A_145, %dma_start3A_155] : memref<32x84x128xi32, #tpu.memory_space<hbm>> -> memref<1x1x128xi32, #tpu.memory_space<hbm>>
        %dma_start3A_157 = tpu.memref_squeeze %dma_start3A_156 : memref<1x1x128xi32, #tpu.memory_space<hbm>> -> memref<128xi32, #tpu.memory_space<hbm>>
        tpu.enqueue_dma source(%dma_start3A_157 : memref<128xi32, #tpu.memory_space<hbm>>) target(%arg10 : memref<128xi32, #tpu.memory_space<vmem>>) target_semaphore(%arg17 : memref<!tpu.dma_semaphore, #tpu.memory_space<semaphore_mem>>)
      } else {
      }
    }
    %jit3A_75 = arith.constant 2 : i32
    %eq3A_76 = arith.constant 0 : i32
    %eq3A_77 = arith.cmpi eq, %jit3A_75, %eq3A_76 : i32
    %jit3A_78 = arith.constant 1 : i32
    %select_n3A_79 = arith.select %eq3A_77, %jit3A_78, %jit3A_75 : i32
    %rem3A_80 = arith.remsi %select_n3A, %select_n3A_79 : i32
    %ne3A_81 = arith.constant 0 : i32
    %ne3A_82 = arith.cmpi ne, %rem3A_80, %ne3A_81 : i32
    %lt3A = arith.constant 0 : i32
    %lt3A_83 = arith.cmpi slt, %rem3A_80, %lt3A : i32
    %lt3A_84 = arith.constant 0 : i32
    %lt3A_85 = arith.cmpi slt, %select_n3A_79, %lt3A_84 : i32
    %ne3A_86 = arith.xori %lt3A_83, %lt3A_85 : i1
    %and3A_87 = arith.andi %ne3A_86, %ne3A_82 : i1
    %add3A_88 = arith.addi %rem3A_80, %select_n3A_79 : i32
    %select_n3A_89 = arith.select %and3A_87, %add3A_88, %rem3A_80 : i32
    %eq3A_90 = arith.constant 1 : i32
    %eq3A_91 = arith.cmpi eq, %select_n3A_89, %eq3A_90 : i32
    %convert_element_type3A = arith.extui %eq3A_91 : i1 to i32
    %cond3A = arith.constant 0 : i32
    %cond3A_92 = arith.cmpi ne, %convert_element_type3A, %cond3A : i32
    scf.if %cond3A_92 {
      %dma_wait3A_98 = arith.constant 0 : i32
      %dma_wait3A_99 = arith.constant 0 : i32
      %dma_wait3A_100 = tpu.memref_slice %arg2[%dma_wait3A_98, %dma_wait3A_99] : memref<10000x128xf32, #tpu.memory_space<hbm>> -> memref<10000x128xf32, #tpu.memory_space<hbm>>
      tpu.wait_indirect_dma semaphore(%arg14 : memref<!tpu.dma_semaphore, #tpu.memory_space<semaphore_mem>>) src(%dma_wait3A_100 : memref<10000x128xf32, #tpu.memory_space<hbm>>) dst(%arg11 : memref<128x128xf32, #tpu.memory_space<vmem>>)
      "tpu.region"() ({
        %run_scoped3A = tpu.sem_alloc : memref<!tpu.dma_semaphore, #tpu.memory_space<semaphore_mem>>
        %dma_start3A_101 = arith.constant 0 : i32
        %dma_start3A_102 = arith.constant 0 : i32
        %dma_start3A_103 = tpu.memref_slice %arg13[%dma_start3A_101, %dma_start3A_102] : memref<10240x128xf32, #tpu.memory_space<vmem_shared>> -> memref<10240x128xf32, #tpu.memory_space<vmem_shared>>
        tpu.enqueue_indirect_dma source(%arg11 : memref<128x128xf32, #tpu.memory_space<vmem>>) target(%dma_start3A_103 : memref<10240x128xf32, #tpu.memory_space<vmem_shared>>) offsets(%arg8 : memref<128xi32, #tpu.memory_space<vmem>>) semaphore(%run_scoped3A : memref<!tpu.dma_semaphore, #tpu.memory_space<semaphore_mem>>) {add = true}
        %dma_wait3A_104 = arith.constant 0 : i32
        %dma_wait3A_105 = arith.constant 0 : i32
        %dma_wait3A_106 = tpu.memref_slice %arg13[%dma_wait3A_104, %dma_wait3A_105] : memref<10240x128xf32, #tpu.memory_space<vmem_shared>> -> memref<10240x128xf32, #tpu.memory_space<vmem_shared>>
        tpu.wait_indirect_dma semaphore(%run_scoped3A : memref<!tpu.dma_semaphore, #tpu.memory_space<semaphore_mem>>) src(%arg11 : memref<128x128xf32, #tpu.memory_space<vmem>>) dst(%dma_wait3A_106 : memref<10240x128xf32, #tpu.memory_space<vmem_shared>>)
        tpu.yield
      }) : () -> ()
    } else {
    }
    %barrier3A_93 = arith.constant 0 : index
    tpu.barrier barrier_id(%barrier3A_93)
    %mul3A_94 = arith.constant 640 : i32
    %mul3A_95 = arith.muli %arg1, %mul3A_94 : i32
    %mul3A_96 = arith.constant 640 : i32
    %mul3A_97 = arith.muli %arg1, %mul3A_96 : i32
    "tpu.region"() ({
      %run_scoped3A = tpu.sem_alloc : memref<!tpu.dma_semaphore, #tpu.memory_space<semaphore_mem>>
      %dma_start3A_98 = arith.constant 0 : i32
      %dma_start3A_99 = tpu.memref_slice %arg6[%arg0, %mul3A_97, %dma_start3A_98] : memref<2x10240x128xf32, #tpu.memory_space<hbm>> -> memref<1x640x128xf32, #tpu.memory_space<hbm>>
      %dma_start3A_100 = tpu.memref_squeeze %dma_start3A_99 : memref<1x640x128xf32, #tpu.memory_space<hbm>> -> memref<640x128xf32, #tpu.memory_space<hbm>>
      %dma_start3A_101 = arith.constant 0 : i32
      %dma_start3A_102 = tpu.memref_slice %arg13[%mul3A_95, %dma_start3A_101] : memref<10240x128xf32, #tpu.memory_space<vmem_shared>> -> memref<640x128xf32, #tpu.memory_space<vmem_shared>>
      tpu.enqueue_dma source(%dma_start3A_102 : memref<640x128xf32, #tpu.memory_space<vmem_shared>>) target(%dma_start3A_100 : memref<640x128xf32, #tpu.memory_space<hbm>>) target_semaphore(%run_scoped3A : memref<!tpu.dma_semaphore, #tpu.memory_space<semaphore_mem>>)
      %dma_wait3A_103 = arith.constant 0 : i32
      %dma_wait3A_104 = tpu.memref_slice %arg6[%arg0, %mul3A_97, %dma_wait3A_103] : memref<2x10240x128xf32, #tpu.memory_space<hbm>> -> memref<1x640x128xf32, #tpu.memory_space<hbm>>
      %dma_wait3A_105 = tpu.memref_squeeze %dma_wait3A_104 : memref<1x640x128xf32, #tpu.memory_space<hbm>> -> memref<640x128xf32, #tpu.memory_space<hbm>>
      %dma_wait3A_106 = arith.constant 0 : i32
      %dma_wait3A_107 = tpu.memref_slice %arg13[%mul3A_95, %dma_wait3A_106] : memref<10240x128xf32, #tpu.memory_space<vmem_shared>> -> memref<640x128xf32, #tpu.memory_space<vmem_shared>>
      tpu.wait_dma2 semaphore(%run_scoped3A : memref<!tpu.dma_semaphore, #tpu.memory_space<semaphore_mem>>) src(%dma_wait3A_107 : memref<640x128xf32, #tpu.memory_space<vmem_shared>>) dst(%dma_wait3A_105 : memref<640x128xf32, #tpu.memory_space<hbm>>)
      tpu.yield
    }) : () -> ()
    return
  }
}

module attributes {stable_mosaic.version = 14 : i64} {
  func.func @_prep_body(%arg0: i32, %arg1: memref<1000x128xf32, #tpu.memory_space<vmem>>, %arg2: memref<2x1000x128xf32, #tpu.memory_space<vmem>>, %arg3: memref<128x128xf32, #tpu.memory_space<vmem>>, %arg4: memref<128x64xf32, #tpu.memory_space<vmem>>, %arg5: memref<128x64xf32, #tpu.memory_space<vmem>>, %arg6: memref<1x64xf32, #tpu.memory_space<vmem>>, %arg7: memref<1x64xf32, #tpu.memory_space<vmem>>, %arg8: memref<1000x128xf32, #tpu.memory_space<vmem>>, %arg9: memref<1000x64xf32, #tpu.memory_space<vmem>>, %arg10: memref<1000x64xf32, #tpu.memory_space<vmem>>, %arg11: memref<1000x1xf32, #tpu.memory_space<vmem>>) attributes {dimension_semantics = [#tpu.dimension_semantics<arbitrary>], iteration_bounds = array<i64: 10>, scalar_prefetch = 0 : i64, scratch_operands = 0 : i64, tpu.core_type = #tpu.core_type<tc>, window_params = [{transform_indices = @transform_0, window_bounds = array<i64: 1000, 128>}, {transform_indices = @transform_1, window_bounds = array<i64: 2, 1000, 128>}, {pipeline_mode = #tpu.pipeline_mode<synchronous>, transform_indices = @transform_2, window_bounds = array<i64: 128, 128>}, {pipeline_mode = #tpu.pipeline_mode<synchronous>, transform_indices = @transform_3, window_bounds = array<i64: 128, 64>}, {pipeline_mode = #tpu.pipeline_mode<synchronous>, transform_indices = @transform_4, window_bounds = array<i64: 128, 64>}, {pipeline_mode = #tpu.pipeline_mode<synchronous>, transform_indices = @transform_5, window_bounds = array<i64: 1, 64>}, {pipeline_mode = #tpu.pipeline_mode<synchronous>, transform_indices = @transform_6, window_bounds = array<i64: 1, 64>}, {transform_indices = @transform_7, window_bounds = array<i64: 1000, 128>}, {transform_indices = @transform_8, window_bounds = array<i64: 1000, 64>}, {transform_indices = @transform_9, window_bounds = array<i64: 1000, 64>}, {transform_indices = @transform_10, window_bounds = array<i64: 1000, 1>}]} {
    %get3A = arith.constant 0 : index
    %get3A_0 = arith.constant 0 : index
    %get3A_1 = arith.constant 0 : index
    %get3A_2 = vector.load %arg2[%get3A, %get3A_0, %get3A_1] : memref<2x1000x128xf32, #tpu.memory_space<vmem>>, vector<1x1000x1xf32>
    %get3A_3 = vector.shape_cast %get3A_2 : vector<1x1000x1xf32> to vector<1000x1xf32>
    %get3A_4 = arith.constant 1 : index
    %get3A_5 = arith.constant 0 : index
    %get3A_6 = arith.constant 0 : index
    %get3A_7 = vector.load %arg2[%get3A_4, %get3A_5, %get3A_6] : memref<2x1000x128xf32, #tpu.memory_space<vmem>>, vector<1x1000x1xf32>
    %get3A_8 = vector.shape_cast %get3A_7 : vector<1x1000x1xf32> to vector<1000x1xf32>
    %add3A = arith.addf %get3A_3, %get3A_8 : vector<1000x1xf32>
    %gt3A = arith.constant 0.000000e+00 : f32
    %gt3A_9 = vector.broadcast %gt3A : f32 to vector<1000x1xf32>
    %gt3A_10 = arith.cmpf ogt, %add3A, %gt3A_9 : vector<1000x1xf32>
    %max3A = arith.constant 9.99999996E-13 : f32
    %max3A_11 = vector.broadcast %max3A : f32 to vector<1000x1xf32>
    %max3A_12 = arith.maximumf %add3A, %max3A_11 : vector<1000x1xf32>
    %rsqrt3A = math.rsqrt %max3A_12 : vector<1000x1xf32>
    %jit3A = arith.constant 0.000000e+00 : f32
    %broadcast_in_dim3A = vector.broadcast %jit3A : f32 to vector<1000x1xf32>
    %select_n3A = arith.select %gt3A_10, %rsqrt3A, %broadcast_in_dim3A : vector<1000x1xi1>, vector<1000x1xf32>
    %get3A_13 = arith.constant 0 : index
    %get3A_14 = arith.constant 0 : index
    %get3A_15 = vector.load %arg1[%get3A_13, %get3A_14] : memref<1000x128xf32, #tpu.memory_space<vmem>>, vector<1000x128xf32>
    %mul3A = vector.broadcast %select_n3A : vector<1000x1xf32> to vector<1000x128xf32>
    %mul3A_16 = arith.mulf %get3A_15, %mul3A : vector<1000x128xf32>
    %get3A_17 = arith.constant 0 : index
    %get3A_18 = arith.constant 0 : index
    %get3A_19 = vector.load %arg3[%get3A_17, %get3A_18] : memref<128x128xf32, #tpu.memory_space<vmem>>, vector<128x128xf32>
    %dot_general3A = arith.constant dense<0.000000e+00> : vector<1000x128xf32>
    %dot_general3A_20 = tpu.matmul %mul3A_16, %get3A_19, %dot_general3A {dimension_numbers = #tpu.dot_dimension_numbers<[1], [0], [0], [1], [0, 0, 1, 1], [], []>, transpose_lhs_hint = false} : vector<1000x128xf32>, vector<128x128xf32>, vector<1000x128xf32> -> vector<1000x128xf32>
    %swap3A = arith.constant 0 : index
    %swap3A_21 = arith.constant 0 : index
    %swap3A_22 = vector.load %arg8[%swap3A, %swap3A_21] : memref<1000x128xf32, #tpu.memory_space<vmem>>, vector<1000x128xf32>
    tpu.vector_store %arg8[%swap3A, %swap3A_21], %dot_general3A_20 {strides = array<i32>} : memref<1000x128xf32, #tpu.memory_space<vmem>>, vector<1000x128xf32>,
    %get3A_23 = arith.constant 0 : index
    %get3A_24 = arith.constant 0 : index
    %get3A_25 = vector.load %arg4[%get3A_23, %get3A_24] : memref<128x64xf32, #tpu.memory_space<vmem>>, vector<128x64xf32>
    %dot_general3A_26 = arith.constant dense<0.000000e+00> : vector<1000x64xf32>
    %dot_general3A_27 = tpu.matmul %get3A_15, %get3A_25, %dot_general3A_26 {dimension_numbers = #tpu.dot_dimension_numbers<[1], [0], [0], [1], [0, 0, 1, 1], [], []>, transpose_lhs_hint = false} : vector<1000x128xf32>, vector<128x64xf32>, vector<1000x64xf32> -> vector<1000x64xf32>
    %get3A_28 = arith.constant 0 : index
    %get3A_29 = arith.constant 0 : index
    %get3A_30 = vector.load %arg6[%get3A_28, %get3A_29] : memref<1x64xf32, #tpu.memory_space<vmem>>, vector<1x64xf32>
    %add3A_31 = vector.broadcast %get3A_30 : vector<1x64xf32> to vector<1000x64xf32>
    %add3A_32 = arith.addf %dot_general3A_27, %add3A_31 : vector<1000x64xf32>
    %swap3A_33 = arith.constant 0 : index
    %swap3A_34 = arith.constant 0 : index
    %swap3A_35 = vector.load %arg9[%swap3A_33, %swap3A_34] : memref<1000x64xf32, #tpu.memory_space<vmem>>, vector<1000x64xf32>
    tpu.vector_store %arg9[%swap3A_33, %swap3A_34], %add3A_32 {strides = array<i32>} : memref<1000x64xf32, #tpu.memory_space<vmem>>, vector<1000x64xf32>,
    %get3A_36 = arith.constant 0 : index
    %get3A_37 = arith.constant 0 : index
    %get3A_38 = vector.load %arg5[%get3A_36, %get3A_37] : memref<128x64xf32, #tpu.memory_space<vmem>>, vector<128x64xf32>
    %dot_general3A_39 = arith.constant dense<0.000000e+00> : vector<1000x64xf32>
    %dot_general3A_40 = tpu.matmul %get3A_15, %get3A_38, %dot_general3A_39 {dimension_numbers = #tpu.dot_dimension_numbers<[1], [0], [0], [1], [0, 0, 1, 1], [], []>, transpose_lhs_hint = false} : vector<1000x128xf32>, vector<128x64xf32>, vector<1000x64xf32> -> vector<1000x64xf32>
    %get3A_41 = arith.constant 0 : index
    %get3A_42 = arith.constant 0 : index
    %get3A_43 = vector.load %arg7[%get3A_41, %get3A_42] : memref<1x64xf32, #tpu.memory_space<vmem>>, vector<1x64xf32>
    %add3A_44 = vector.broadcast %get3A_43 : vector<1x64xf32> to vector<1000x64xf32>
    %add3A_45 = arith.addf %dot_general3A_40, %add3A_44 : vector<1000x64xf32>
    %swap3A_46 = arith.constant 0 : index
    %swap3A_47 = arith.constant 0 : index
    %swap3A_48 = vector.load %arg10[%swap3A_46, %swap3A_47] : memref<1000x64xf32, #tpu.memory_space<vmem>>, vector<1000x64xf32>
    tpu.vector_store %arg10[%swap3A_46, %swap3A_47], %add3A_45 {strides = array<i32>} : memref<1000x64xf32, #tpu.memory_space<vmem>>, vector<1000x64xf32>,
    %swap3A_49 = arith.constant 0 : index
    %swap3A_50 = arith.constant 0 : index
    %swap3A_51 = vector.load %arg11[%swap3A_49, %swap3A_50] : memref<1000x1xf32, #tpu.memory_space<vmem>>, vector<1000x1xf32>
    tpu.vector_store %arg11[%swap3A_49, %swap3A_50], %select_n3A {strides = array<i32>} : memref<1000x1xf32, #tpu.memory_space<vmem>>, vector<1000x1xf32>,
    return
  }
  func.func @transform_0(%arg0: i32) -> (i32, i32) {
    %c0_i32 = arith.constant 0 : i32
    %c0_i32_0 = arith.constant 0 : i32
    return %arg0, %c0_i32 : i32, i32
  }
  func.func @transform_1(%arg0: i32) -> (i32, i32, i32) {
    %c0_i32 = arith.constant 0 : i32
    %c0_i32_0 = arith.constant 0 : i32
    %c0_i32_1 = arith.constant 0 : i32
    return %c0_i32, %arg0, %c0_i32_0 : i32, i32, i32
  }
  func.func @transform_2(%arg0: i32) -> (i32, i32) {
    %c0_i32 = arith.constant 0 : i32
    %c0_i32_0 = arith.constant 0 : i32
    %c0_i32_1 = arith.constant 0 : i32
    return %c0_i32, %c0_i32_0 : i32, i32
  }
  func.func @transform_3(%arg0: i32) -> (i32, i32) {
    %c0_i32 = arith.constant 0 : i32
    %c0_i32_0 = arith.constant 0 : i32
    %c0_i32_1 = arith.constant 0 : i32
    return %c0_i32, %c0_i32_0 : i32, i32
  }
  func.func @transform_4(%arg0: i32) -> (i32, i32) {
    %c0_i32 = arith.constant 0 : i32
    %c0_i32_0 = arith.constant 0 : i32
    %c0_i32_1 = arith.constant 0 : i32
    return %c0_i32, %c0_i32_0 : i32, i32
  }
  func.func @transform_5(%arg0: i32) -> (i32, i32) {
    %c0_i32 = arith.constant 0 : i32
    %c0_i32_0 = arith.constant 0 : i32
    %c0_i32_1 = arith.constant 0 : i32
    return %c0_i32, %c0_i32_0 : i32, i32
  }
  func.func @transform_6(%arg0: i32) -> (i32, i32) {
    %c0_i32 = arith.constant 0 : i32
    %c0_i32_0 = arith.constant 0 : i32
    %c0_i32_1 = arith.constant 0 : i32
    return %c0_i32, %c0_i32_0 : i32, i32
  }
  func.func @transform_7(%arg0: i32) -> (i32, i32) {
    %c0_i32 = arith.constant 0 : i32
    %c0_i32_0 = arith.constant 0 : i32
    return %arg0, %c0_i32 : i32, i32
  }
  func.func @transform_8(%arg0: i32) -> (i32, i32) {
    %c0_i32 = arith.constant 0 : i32
    %c0_i32_0 = arith.constant 0 : i32
    return %arg0, %c0_i32 : i32, i32
  }
  func.func @transform_9(%arg0: i32) -> (i32, i32) {
    %c0_i32 = arith.constant 0 : i32
    %c0_i32_0 = arith.constant 0 : i32
    return %arg0, %c0_i32 : i32, i32
  }
  func.func @transform_10(%arg0: i32) -> (i32, i32) {
    %c0_i32 = arith.constant 0 : i32
    %c0_i32_0 = arith.constant 0 : i32
    return %arg0, %c0_i32 : i32, i32
  }
}

module attributes {stable_mosaic.version = 14 : i64} {
  func.func @_final_body(%arg0: i32, %arg1: memref<2x1000x128xf32, #tpu.memory_space<vmem>>, %arg2: memref<1000x1xf32, #tpu.memory_space<vmem>>, %arg3: memref<1000x64xf32, #tpu.memory_space<vmem>>, %arg4: memref<1000x64xf32, #tpu.memory_space<vmem>>, %arg5: memref<64x16xf32, #tpu.memory_space<vmem>>, %arg6: memref<1x16xf32, #tpu.memory_space<vmem>>, %arg7: memref<1000x16xf32, #tpu.memory_space<vmem>>) attributes {dimension_semantics = [#tpu.dimension_semantics<arbitrary>], iteration_bounds = array<i64: 10>, scalar_prefetch = 0 : i64, scratch_operands = 0 : i64, tpu.core_type = #tpu.core_type<tc>, window_params = [{transform_indices = @transform_0, window_bounds = array<i64: 2, 1000, 128>}, {transform_indices = @transform_1, window_bounds = array<i64: 1000, 1>}, {transform_indices = @transform_2, window_bounds = array<i64: 1000, 64>}, {transform_indices = @transform_3, window_bounds = array<i64: 1000, 64>}, {pipeline_mode = #tpu.pipeline_mode<synchronous>, transform_indices = @transform_4, window_bounds = array<i64: 64, 16>}, {pipeline_mode = #tpu.pipeline_mode<synchronous>, transform_indices = @transform_5, window_bounds = array<i64: 1, 16>}, {transform_indices = @transform_6, window_bounds = array<i64: 1000, 16>}]} {
    %get3A = arith.constant 0 : index
    %get3A_0 = arith.constant 0 : index
    %get3A_1 = arith.constant 0 : index
    %get3A_2 = vector.load %arg1[%get3A, %get3A_0, %get3A_1] : memref<2x1000x128xf32, #tpu.memory_space<vmem>>, vector<1x1000x128xf32>
    %get3A_3 = vector.shape_cast %get3A_2 : vector<1x1000x128xf32> to vector<1000x128xf32>
    %get3A_4 = arith.constant 1 : index
    %get3A_5 = arith.constant 0 : index
    %get3A_6 = arith.constant 0 : index
    %get3A_7 = vector.load %arg1[%get3A_4, %get3A_5, %get3A_6] : memref<2x1000x128xf32, #tpu.memory_space<vmem>>, vector<1x1000x128xf32>
    %get3A_8 = vector.shape_cast %get3A_7 : vector<1x1000x128xf32> to vector<1000x128xf32>
    %add3A = arith.addf %get3A_3, %get3A_8 : vector<1000x128xf32>
    %get3A_9 = arith.constant 0 : index
    %get3A_10 = arith.constant 0 : index
    %get3A_11 = vector.load %arg2[%get3A_9, %get3A_10] : memref<1000x1xf32, #tpu.memory_space<vmem>>, vector<1000x1xf32>
    %neg3A = arith.constant 0.000000e+00 : f32
    %neg3A_12 = vector.broadcast %neg3A : f32 to vector<1000x1xf32>
    %neg3A_13 = arith.subf %neg3A_12, %get3A_11 : vector<1000x1xf32>
    %mul3A = vector.broadcast %neg3A_13 : vector<1000x1xf32> to vector<1000x128xf32>
    %mul3A_14 = arith.mulf %add3A, %mul3A : vector<1000x128xf32>
    %get3A_15 = arith.constant 0 : index
    %get3A_16 = arith.constant 0 : index
    %get3A_17 = vector.load %arg3[%get3A_15, %get3A_16] : memref<1000x64xf32, #tpu.memory_space<vmem>>, vector<1000x64xf32>
    %slice3A = vector.extract_strided_slice %mul3A_14 {offsets = [0, 0], sizes = [1000, 64], strides = [1, 1]} : vector<1000x128xf32> to vector<1000x64xf32>
    %add3A_18 = arith.addf %get3A_17, %slice3A : vector<1000x64xf32>
    %logistic3A = arith.negf %add3A_18 : vector<1000x64xf32>
    %logistic3A_19 = math.exp %logistic3A : vector<1000x64xf32>
    %logistic3A_20 = arith.constant 1.000000e+00 : f32
    %logistic3A_21 = vector.broadcast %logistic3A_20 : f32 to vector<1000x64xf32>
    %logistic3A_22 = arith.addf %logistic3A_21, %logistic3A_19 : vector<1000x64xf32>
    %logistic3A_23 = arith.divf %logistic3A_21, %logistic3A_22 : vector<1000x64xf32>
    %get3A_24 = arith.constant 0 : index
    %get3A_25 = arith.constant 0 : index
    %get3A_26 = vector.load %arg4[%get3A_24, %get3A_25] : memref<1000x64xf32, #tpu.memory_space<vmem>>, vector<1000x64xf32>
    %slice3A_27 = vector.extract_strided_slice %mul3A_14 {offsets = [0, 64], sizes = [1000, 64], strides = [1, 1]} : vector<1000x128xf32> to vector<1000x64xf32>
    %add3A_28 = arith.addf %get3A_26, %slice3A_27 : vector<1000x64xf32>
    %tanh3A = math.tanh %add3A_28 : vector<1000x64xf32>
    %sub3A = arith.constant 1.000000e+00 : f32
    %sub3A_29 = vector.broadcast %sub3A : f32 to vector<1000x64xf32>
    %sub3A_30 = arith.subf %sub3A_29, %logistic3A_23 : vector<1000x64xf32>
    %mul3A_31 = arith.mulf %sub3A_30, %tanh3A : vector<1000x64xf32>
    %get3A_32 = arith.constant 0 : index
    %get3A_33 = arith.constant 0 : index
    %get3A_34 = vector.load %arg5[%get3A_32, %get3A_33] : memref<64x16xf32, #tpu.memory_space<vmem>>, vector<64x16xf32>
    %dot_general3A = arith.constant dense<0.000000e+00> : vector<1000x16xf32>
    %dot_general3A_35 = tpu.matmul %mul3A_31, %get3A_34, %dot_general3A {dimension_numbers = #tpu.dot_dimension_numbers<[1], [0], [0], [1], [0, 0, 1, 1], [], []>, transpose_lhs_hint = false} : vector<1000x64xf32>, vector<64x16xf32>, vector<1000x16xf32> -> vector<1000x16xf32>
    %get3A_36 = arith.constant 0 : index
    %get3A_37 = arith.constant 0 : index
    %get3A_38 = vector.load %arg6[%get3A_36, %get3A_37] : memref<1x16xf32, #tpu.memory_space<vmem>>, vector<1x16xf32>
    %add3A_39 = vector.broadcast %get3A_38 : vector<1x16xf32> to vector<1000x16xf32>
    %add3A_40 = arith.addf %dot_general3A_35, %add3A_39 : vector<1000x16xf32>
    %mul3A_41 = arith.mulf %add3A_40, %add3A_40 : vector<1000x16xf32>
    %reduce_sum3A = arith.constant dense<0.000000e+00> : vector<1000xf32>
    %reduce_sum3A_42 = vector.multi_reduction <add>, %mul3A_41, %reduce_sum3A [1] : vector<1000x16xf32> to vector<1000xf32>
    %broadcast_in_dim3A = vector.shape_cast %reduce_sum3A_42 : vector<1000xf32> to vector<1000x1xf32>
    %sqrt3A = math.sqrt %broadcast_in_dim3A : vector<1000x1xf32>
    %max3A = arith.constant 9.99999996E-13 : f32
    %max3A_43 = vector.broadcast %max3A : f32 to vector<1000x1xf32>
    %max3A_44 = arith.maximumf %sqrt3A, %max3A_43 : vector<1000x1xf32>
    %div3A = vector.broadcast %max3A_44 : vector<1000x1xf32> to vector<1000x16xf32>
    %div3A_45 = arith.divf %add3A_40, %div3A : vector<1000x16xf32>
    %swap3A = arith.constant 0 : index
    %swap3A_46 = arith.constant 0 : index
    %swap3A_47 = vector.load %arg7[%swap3A, %swap3A_46] : memref<1000x16xf32, #tpu.memory_space<vmem>>, vector<1000x16xf32>
    tpu.vector_store %arg7[%swap3A, %swap3A_46], %div3A_45 {strides = array<i32>} : memref<1000x16xf32, #tpu.memory_space<vmem>>, vector<1000x16xf32>,
    return
  }
  func.func @transform_0(%arg0: i32) -> (i32, i32, i32) {
    %c0_i32 = arith.constant 0 : i32
    %c0_i32_0 = arith.constant 0 : i32
    %c0_i32_1 = arith.constant 0 : i32
    return %c0_i32, %arg0, %c0_i32_0 : i32, i32, i32
  }
  func.func @transform_1(%arg0: i32) -> (i32, i32) {
    %c0_i32 = arith.constant 0 : i32
    %c0_i32_0 = arith.constant 0 : i32
    return %arg0, %c0_i32 : i32, i32
  }
  func.func @transform_2(%arg0: i32) -> (i32, i32) {
    %c0_i32 = arith.constant 0 : i32
    %c0_i32_0 = arith.constant 0 : i32
    return %arg0, %c0_i32 : i32, i32
  }
  func.func @transform_3(%arg0: i32) -> (i32, i32) {
    %c0_i32 = arith.constant 0 : i32
    %c0_i32_0 = arith.constant 0 : i32
    return %arg0, %c0_i32 : i32, i32
  }
  func.func @transform_4(%arg0: i32) -> (i32, i32) {
    %c0_i32 = arith.constant 0 : i32
    %c0_i32_0 = arith.constant 0 : i32
    %c0_i32_1 = arith.constant 0 : i32
    return %c0_i32, %c0_i32_0 : i32, i32
  }
  func.func @transform_5(%arg0: i32) -> (i32, i32) {
    %c0_i32 = arith.constant 0 : i32
    %c0_i32_0 = arith.constant 0 : i32
    %c0_i32_1 = arith.constant 0 : i32
    return %c0_i32, %c0_i32_0 : i32, i32
  }
  func.func @transform_6(%arg0: i32) -> (i32, i32) {
    %c0_i32 = arith.constant 0 : i32
    %c0_i32_0 = arith.constant 0 : i32
    return %arg0, %c0_i32 : i32, i32
  }
}

</mosaic_0001>

<sc_bundles>
// kernel: kernel.6.cloned.1.call-start
scs
__scs_entry_jumppad:
0x0: {  	(pc) =	sbr.rel $0x88, $3  }
0x1: {  	(tag) =	ssettag $0x0;
	lr =	simm.s32 $0x1  }
0x2: {  	[smem:$0x3F97] =	sst lr;
	_ =	strace $0xD0000000  }
0x3: {  	_ = 	snop  }
0x4: {  	_ = 	snop  }
0x5: {  	_ = 	snop  }
0x6: {  	_ = 	snop  }
0x7: {  	_ = 	snop  }
__scs_overlays_trampoline_lowered:
0x8: {  	[smem:$0x3FA6] =	sst s0  }
0x9: {  	[smem:$0x3FA7] =	sst s1  }
0xa: {  	[smem:$0x3FA8] =	sst s2  }
0xb: {  	[smem:$0x3FA9] =	sst s3  }
0xc: {  	[smem:$0x3FAA] =	sst s4  }
0xd: {  	[smem:$0x3FAB] =	sst s5  }
0xe: {  	[smem:$0x3FAC] =	sst s6  }
0xf: {  	[smem:$0x3FAD] =	sst s7  }
0x10: {  	[smem:$0x3FAE] =	sst s8  }
0x11: {  	[smem:$0x3FAF] =	sst s9;
	s0 =	simm.s32 @!p0 $0x0  }
0x12: {  	s1 =	sld [smem:$0x3F95];
	s0 =	simm.s32 @p0 $0x1  }
0x13: {  	[smem:$0x3FB0] =	sst s0;
	s0 =	simm.s32 @!p1 $0x0  }
0x14: {  	s2 =	sld [smem:$0x3F94];
	s0 =	simm.s32 @p1 $0x1  }
0x15: {  	[smem:$0x3FB1] =	sst s0;
	s0 =	simm.s32 @!p2 $0x0  }
0x16: {  	s3 =	sld [smem:$0x3FDB];
	s0 =	simm.s32 @p2 $0x1  }
0x17: {  	s4 =	simm.s32 $0x1BF5;
	[smem:$0x3FB3] =	sst s0  }
0x18: {  	s0 =	sld [smem:$0x3F96];
	_ =	swait.ge [sflag:s4], $0x0  }
0x19: {  	s7 =	sld [smem:$0x3F97]  }
0x1a: {  	s8 =	sadd.s32 $0xFFFFE003, lr  }
0x1b: {  	s9 =	sadd.s32 $0xFFFFFEF7, lr;
	s5 =	simm.s32 $0xFFFFFFFF;
	p2 =	slt.u32 s8, $0xFFFFF086  }
0x1c: {  	p1 =	slt.u32 s9, $0xF7A;
	s5 =	simm.s32 @!p2 $0x0  }
0x1d: {  	s5 =	simm.s32 @p1 $0x1;
	p0 =	seq.s32 s7, s2  }
0x1e: {  	s7 =	smul.u32 @!p0 $0xF7A, s2;
	p2 =	seq.s32 @!p0 s5, $0x0  }
0x1f: {  	s9 =	smul.u32 $0xF7A, s1;
	s8 =	simm.s32 @!p0 $0x1BF5;
	p2 =	por !p2, p0  }
0x20: {  	[sflag:s8] =	ssyncset.s32 @!p0 $0xFFFFF086;
	s6 =	sadd.s32 @!p0 s3, s7;
	s7 =	simm.s32 @!p0 $0x108  }
0x21: {  	s3 =	sadd.s32 s3, s9;
	s6 =	sadd.s32 @!p0 $0x88, s6;
	s7 =	simm.s32 @p2 $0x1082  }
0x22: {  	[simem:s7], [sflag:s8] =	dma.local @!p0 [hbm:s6], $0xF7A  }
0x23: {  	s9 =	sor.u32 $0xD0000000, s2;
	s6 =	simm.s32 $0x108;
	_ =	swait.ge @!p0 [sflag:s8], $0x0  }
0x24: {  	s3 =	sadd.s32 $0x88, s3;
	s6 =	simm.s32 @!p1 $0x1082;
	[sflag:s4] =	ssyncset.s32 $0xFFFFF086  }
0x25: {  	[simem:s6], [sflag:s4] =	dma.local [hbm:s3], $0xF7A  }
0x26: {  	[smem:$0x3F97] =	sst s1;
	(tag) =	ssettag s2;
	_ =	strace s9  }
0x27: {  	s1 =	sld [smem:$0x3FA7]  }
0x28: {  	s2 =	sld [smem:$0x3FA8]  }
0x29: {  	s4 =	sld [smem:$0x3FAA]  }
0x2a: {  	p0 =	seq.s32 s5, $0x0;
	s5 =	sld [smem:$0x3FAB]  }
0x2b: {  	s6 =	sld [smem:$0x3FAC]  }
0x2c: {  	s7 =	sld [smem:$0x3FAD]  }
0x2d: {  	s3 =	simm.s32 $0x108;
	s8 =	sld [smem:$0x3FAE]  }
0x2e: {  	s3 =	simm.s32 @!p0 $0x1082;
	s9 =	sld [smem:$0x3FAF]  }
0x2f: {  	lr =	sadd.s32 s0, s3;
	s0 =	sld [smem:$0x3FA6]  }
0x30: {  	s3 =	sld [smem:$0x3FA9]  }
0x31: {  	[smem:$0x3FB2] =	sst s10  }
0x32: {  	s10 =	sld [smem:$0x3FB0];
	_ =	sdelay $0x3  }
0x33: {  	p0 =	seq.s32 s10, $0x1;
	s10 =	sld [smem:$0x3FB2];
	_ =	sdelay $0x3  }
0x34: {  	[smem:$0x3FB2] =	sst s10  }
0x35: {  	s10 =	sld [smem:$0x3FB1];
	_ =	sdelay $0x3  }
0x36: {  	p1 =	seq.s32 s10, $0x1;
	s10 =	sld [smem:$0x3FB2];
	_ =	sdelay $0x3  }
0x37: {  	[smem:$0x3FB2] =	sst s10  }
0x38: {  	s10 =	sld [smem:$0x3FB3]  }
0x39: {  	_ = 	snop;
	(pc) =	sbr.ind lr, $3  }
0x3a: {  	_ = 	snop  }
0x3b: {  	_ = 	snop  }
0x3c: {  	p2 =	seq.s32 s10, $0x1;
	s10 =	sld [smem:$0x3FB2]  }
0x3d: {  	_ =	shalt  }
0x3e: {  	_ =	shalt  }
0x3f: {  	_ =	shalt  }
0x40: {  	_ =	shalt  }
0x41: {  	_ =	shalt  }
0x42: {  	_ =	shalt  }
0x43: {  	_ =	shalt  }
0x44: {  	_ =	shalt  }
0x45: {  	_ =	shalt  }
0x46: {  	_ =	shalt  }
0x47: {  	_ =	shalt  }
0x48: {  	_ =	shalt  }
0x49: {  	_ =	shalt  }
0x4a: {  	_ =	shalt  }
0x4b: {  	_ =	shalt  }
0x4c: {  	_ =	shalt  }
0x4d: {  	_ =	shalt  }
0x4e: {  	_ =	shalt  }
0x4f: {  	_ =	shalt  }
0x50: {  	_ =	shalt  }
0x51: {  	_ =	shalt  }
0x52: {  	_ =	shalt  }
0x53: {  	_ =	shalt  }
0x54: {  	_ =	shalt  }
0x55: {  	_ =	shalt  }
0x56: {  	_ =	shalt  }
0x57: {  	_ =	shalt  }
0x58: {  	_ =	shalt  }
0x59: {  	_ =	shalt  }
0x5a: {  	_ =	shalt  }
0x5b: {  	_ =	shalt  }
0x5c: {  	_ =	shalt  }
0x5d: {  	_ =	shalt  }
0x5e: {  	_ =	shalt  }
0x5f: {  	_ =	shalt  }
0x60: {  	_ =	shalt  }
0x61: {  	_ =	shalt  }
0x62: {  	_ =	shalt  }
0x63: {  	_ =	shalt  }
0x64: {  	_ =	shalt  }
0x65: {  	_ =	shalt  }
0x66: {  	_ =	shalt  }
0x67: {  	_ =	shalt  }
0x68: {  	_ =	shalt  }
0x69: {  	_ =	shalt  }
0x6a: {  	_ =	shalt  }
0x6b: {  	_ =	shalt  }
0x6c: {  	_ =	shalt  }
0x6d: {  	_ =	shalt  }
0x6e: {  	_ =	shalt  }
0x6f: {  	_ =	shalt  }
0x70: {  	_ =	shalt  }
0x71: {  	_ =	shalt  }
0x72: {  	_ =	shalt  }
0x73: {  	_ =	shalt  }
0x74: {  	_ =	shalt  }
0x75: {  	_ =	shalt  }
0x76: {  	_ =	shalt  }
0x77: {  	_ =	shalt  }
0x78: {  	_ =	shalt  }
0x79: {  	_ =	shalt  }
0x7a: {  	_ =	shalt  }
0x7b: {  	_ =	shalt  }
0x7c: {  	_ =	shalt  }
0x7d: {  	_ =	shalt  }
0x7e: {  	_ =	shalt  }
0x7f: {  	_ =	shalt  }
0x80: {  	_ =	shalt  }
0x81: {  	_ =	shalt  }
0x82: {  	_ =	shalt  }
0x83: {  	_ =	shalt  }
0x84: {  	_ =	shalt  }
0x85: {  	_ =	shalt  }
0x86: {  	_ =	shalt  }
0x87: {  	_ =	shalt  }
.Lfunc_end0:
.L_simem_size_0:
called_computation_lowered:
.L_overlay_start_0:
0x88: {  	s2 =	sld [smem:$0x3FD9]  }
0x89: {  	s3 =	sld [smem:$0x3FFE];
	_ =	sdelay $0x1  }
0x8a: {  	s1 =	srdreg.scid  }
0x8b: {  	s0 =	sand.u32 $0x1, s1  }
0x8c: {  	s17 =	sshll.u32 s0, $0xA;
	s2 =	sadd.s32 s3, s2  }
0x8d: {  	s2 =	sadd.s32 s2, s17  }
0x8e: {  	[smem:$0x3FBE] =	sst s2  }
0x8f: {  	_ = 	snop  }
0x90: {  	s2 =	sld [smem:$0x3FD0];
	(tm) =	ssettm $0x1  }
0x91: {  	s18 =	sld [smem:$0x3FFB];
	_ =	sdelay $0x3  }
0x92: {  	_ =	strace s18  }
0x93: {  	s3 =	sld [smem:$0x3FFC];
	_ =	sdelay $0x3  }
0x94: {  	_ =	strace s3  }
0x95: {  	s3 =	sld [smem:$0x3FFD];
	_ =	sdelay $0x3  }
0x96: {  	_ =	strace s3  }
0x97: {  	_ =	strace $0x8FFFFFFF  }
0x98: {  	s19 =	sld [smem:$0x3FDB];
	_ =	sdelay $0x1  }
0x99: {  	s4 =	simm.s32 $_scs_section_size  }
0x9a: {  	s5 =	simm.s32 $_size__tile_overlayer_lowered;
	s6 =	simm.s32 $_tile_overlayer_lowered  }
0x9b: {  	s22 =	simm.s32 $0x1BFF;
	s21 =	sshll.u32 s6, $0x1;
	s3 =	sadd.s32 s4, s19  }
0x9c: {  	s7 =	simm.s32 $0x0;
	s20 =	sshll.u32 s5, $0x1;
	s5 =	sadd.s32 s21, s3  }
0x9d: {  	[timem:s7], [sflag:s22] =	dma.local [hbm:s5], s20  }
0x9e: {  	_ =	swait.ge [sflag:s22], s20  }
0x9f: {  	s4 =	ssub.s32 $0x0, s20;
	[sflag:s22] =	ssyncset.done $0x0  }
0xa0: {  	[sflag:s22] =	ssyncadd.s32 s4;
	_ =	sdelay $0x1  }
0xa1: {  	s23 =	simm.s32 $0x1B8B  }
0xa2: {  	_ =	swait.ge [sflag:s23], $0x1  }
0xa3: {  	[sflag:s23] =	ssyncset.done $0x0  }
0xa4: {  	s25 =	simm.s32 $0x1B8E;
	s24 =	sld [smem:$0x3FFE];
	[sflag:s23] =	ssyncadd.s32 $0xFFFFFFFF  }
0xa5: {  	s26 =	simm.s32 $execute0_lowered;
	[smem:$0x3FD2] =	sst s25  }
0xa6: {  	s5 =	sshll.u32 s26, $0x1;
	_ =	strace $0x80000046;
	[dreg:$0x1] =	wrdreg $0xFFFFFFFF  }
0xa7: {  	s28 =	simm.s32 $_size_execute0_lowered;
	s3 =	sadd.s32 s3, s5;
	[dreg:$0x0] =	wrdreg $0x0  }
0xa8: {  	s5 =	sshll.u32 s28, $0x1;
	[dreg:$0x2] =	wrdreg s3  }
0xa9: {  	[dreg:$0x3] =	wrdreg s5  }
0xaa: {  	[dreg:$0x4] =	wrdreg $0xC0  }
0xab: {  	_ =	task [dreg:s7], $0x5FFFF  }
0xac: {  	[dreg:$0x1] =	wrdreg $0xFFFFFFFF  }
0xad: {  	[dreg:$0x0] =	wrdreg $0x60  }
0xae: {  	[dreg:$0x2] =	wrdreg s24  }
0xaf: {  	[dreg:$0x3] =	wrdreg s2  }
0xb0: {  	[dreg:$0x4] =	wrdreg $0x68800  }
0xb1: {  	[dreg:$0x5] =	wrdreg $0x9  }
0xb2: {  	_ =	task.clear_ibuf [dreg:s7], $0x6FFFF;
	_ =	strace $0x90000046  }
0xb3: {  	s29 =	simm.s32 $0x9;
	_ =	strace $0x80000048  }
0xb4: {  	_ =	swait.ge [sflag:s29], $0x1  }
0xb5: {  	[sflag:s29] =	ssyncadd.s32 $0xFFFFFFFF  }
0xb6: {  	_ =	strace $0x90000048  }
0xb7: {  	_ =	sfence  }
0xb8: {  	s30 =	sld [smem:$0x0];
	_ =	sdelay $0x2  }
0xb9: {  	s31 =	sshll.u32 s1, $0xD;
	s1 =	sshrl.u32 s1, $0x2  }
0xba: {  	s3 =	sand.u32 $0x4000, s31;
	s1 =	sadd.s32 s1, s30  }
0xbb: {  	s0 =	sor.u32 s3, s0;
	s1 =	sshll.u32 s1, $0x11  }
0xbc: {  	s0 =	sor.u32 s1, s0  }
0xbd: {  	s0 =	sadd.s32 $0x8F2B, s0  }
0xbe: {  	[sflag:s0] =	ssyncadd.remote.s32 $0x1  }
0xbf: {  	_ =	sfence.sel $0xFFFF  }
0xc0: {  	[dreg:$0x0] =	wrdreg $0xFFFFFFFF;
	(pc) =	sbr.abs _section_cstart, $3  }
0xc1: {  	[dreg:$0x1] =	wrdreg $0xFFFFFFFF  }
0xc2: {  	_ =	task.clear_ibuf [dreg:s7], $0x2FFFF;
	_ =	strace $0x9FFFFFFF  }
0xc3: {  	(tm) =	ssettm $0x7FFFFFFF  }
tec
execute0_lowered:
.L_overlay_start_1:
0x0: {  	(tag) =	ssettag $0x1  }
0x1: {  	s6 =	rddreg [dreg:$0x0]  }
0x2: {  	s2 =	rddreg [dreg:$0x1]  }
0x3: {  	s0 =	srdreg.scid;
	s3 =	rddreg [dreg:$0x2]  }
0x4: {  	s4 =	simm.s32 $0x0;
	s13 =	simm.s32 $0x80;
	s5 =	sand.u32 $0x1, s0  }
0x5: {  	s14 =	simm.s32 $0x2800;
	s0 =	stileid.u32;
	s8 =	smul.u32 $0x140000, s5  }
0x6: {  	s15 =	simm.s32 $0x0;
	[smem:$0x7FF] =	sst s4;
	s9 =	smul.u32 $0x14000, s0  }
0x7: {  	s1 =	sshll.u32 s5, $0x4;
	s30 =	ssub.s32 $0x2, s5;
	s10 =	smul.u32 $0x50000, s0  }
0x8: {  	s5 =	sadd.s32 $0xB600, s6;
	s31 =	sshll.u32 s0, $0x6;
	s1 =	sor.u32 s0, s1  }
0x9: {  	s11 =	sshrl.u32 s30, $0x1;
	s7 =	smul.u32 $0x500, s1;
	s1 =	rddreg [dreg:$0x3]  }
0xa: {  	_ =	strace $0x80000047;
	s8 =	sadd.s32 s9, s8;
	s9 =	ssub.s32 s30, s11  }
0xb: {  	s10 =	sshrl.u32 s10, $0x2;
	s11 =	sor.u32 $0x1C01, s31;
	s8 =	sshrl.u32 s8, $0x3  }
0xc: {  	s12 =	sadd.s32 s10, s3;
	s10 =	simm.s32 $0x2880;
	s7 =	sadd.s32 s7, s6  }
0xd: {  	s8 =	sadd.s32 s8, s6;
	s12 =	sshrl.u32 s12, $0x3;
	s6 =	sadd.s32 $0x1600, s7  }
0xe: {  	s7 =	sadd.s32 $0xBE00, s8;
	s8 =	smax.u32 s9, $0x1;
	s9 =	simm.s32 $0x1  }
.LBB2_1:
0xf: {  	[tilespmem:s4], [sflag:$0x1] =	stream.linear.gather [hbm4b:s6+s4], $0x2780, $0x38;
	[tilespmem:$0x1A880] =	vst v63  }
0x10: {  	_ =	swait.ge [sflag:s9], $0x2780  }
0x11: {  	[sflag:s9] =	ssyncset.done $0x0  }
0x12: {  	[sflag:s9] =	ssyncadd.s32 $0xFFFFD880  }
0x13: {  	[tilespmem:s10], [sflag:$0x1] =	stream.linear.gather [hbm4b:s5+s4], $0x4000, $0x38;
	[tilespmem:$0x1A880] =	vst v63  }
0x14: {  	_ =	swait.ge [sflag:s9], $0x4000  }
0x15: {  	[sflag:s9] =	ssyncset.done $0x0  }
0x16: {  	[sflag:s9] =	ssyncadd.s32 $0xFFFFC000  }
0x17: {  	[spmem:s12], [sflag:s11] =	dma.local [hbm:s2], $0x2800  }
0x18: {  	_ =	swait.ge [sflag:s9], $0x2800  }
0x19: {  	[sflag:s9] =	ssyncset.done $0x0  }
0x1a: {  	[sflag:s9] =	ssyncadd.s32 $0xFFFFD800  }
0x1b: {  	s16 =	simm.s32 $0x0;
	[bflag:$0x0] =	sbarrier.arrive $0xFFFF  }
0x1c: {  	v0 =	vld [tilespmem:s16+$0x0];
	_ =	sdelay $0x4  }
0x1d: {  	[tilespmem:$0x2800] =	vst v0  }
0x1e: {  	v0 =	vld [tilespmem:s16+$0x10];
	_ =	sdelay $0x4  }
0x1f: {  	[tilespmem:$0x2810] =	vst v0  }
0x20: {  	v0 =	vld [tilespmem:s16+$0x20];
	_ =	sdelay $0x4  }
0x21: {  	[tilespmem:$0x2820] =	vst v0  }
0x22: {  	v0 =	vld [tilespmem:s16+$0x30];
	_ =	sdelay $0x4  }
0x23: {  	[tilespmem:$0x2830] =	vst v0  }
0x24: {  	v0 =	vld [tilespmem:s16+$0x40];
	_ =	sdelay $0x4  }
0x25: {  	[tilespmem:$0x2840] =	vst v0  }
0x26: {  	v0 =	vld [tilespmem:s16+$0x50];
	_ =	sdelay $0x4  }
0x27: {  	[tilespmem:$0x2850] =	vst v0  }
0x28: {  	v0 =	vld [tilespmem:s16+$0x60];
	_ =	sdelay $0x4  }
0x29: {  	[tilespmem:$0x2860] =	vst v0  }
0x2a: {  	v0 =	vld [tilespmem:s16+$0x70];
	_ =	sdelay $0x4  }
0x2b: {  	[tilespmem:$0x2870] =	vst v0  }
0x2c: {  	[spmem:s3] =	stream.indirect.scatter.add.f32 [tilespmem:s10], [sflag:$0x1], $0x80, s14, s13, $0xb8;
	[tilespmem:$0x1A880] =	vst v63  }
0x2d: {  	_ =	swait.ge [sflag:s9], $0x4000  }
0x2e: {  	s18 =	simm.s32 $0x400;
	s16 =	simm.s32 $0x200;
	[sflag:s9] =	ssyncset.done $0x0  }
.LBB2_2:
0x2f: {  	s19 =	sshra.s32 s16, $0x2  }
0x30: {  	[sflag:s9] =	ssyncadd.s32 $0xFFFFC000;
	s16 =	smov.u32 s18;
	s17 =	sadd.s32 $0x200, s18  }
0x31: {  	p0 =	sne.s32 s18, $0x9C00;
	v0 =	vld [tilespmem:s19+$0x0];
	_ =	sdelay $0x4  }
0x32: {  	[tilespmem:$0x2800] =	vst v0  }
0x33: {  	v0 =	vld [tilespmem:s19+$0x10];
	_ =	sdelay $0x4  }
0x34: {  	[tilespmem:$0x2810] =	vst v0  }
0x35: {  	v0 =	vld [tilespmem:s19+$0x20];
	_ =	sdelay $0x4  }
0x36: {  	[tilespmem:$0x2820] =	vst v0  }
0x37: {  	v0 =	vld [tilespmem:s19+$0x30];
	_ =	sdelay $0x4  }
0x38: {  	[tilespmem:$0x2830] =	vst v0  }
0x39: {  	v0 =	vld [tilespmem:s19+$0x40];
	_ =	sdelay $0x4  }
0x3a: {  	[tilespmem:$0x2840] =	vst v0  }
0x3b: {  	v0 =	vld [tilespmem:s19+$0x50];
	_ =	sdelay $0x4  }
0x3c: {  	[tilespmem:$0x2850] =	vst v0  }
0x3d: {  	v0 =	vld [tilespmem:s19+$0x60];
	_ =	sdelay $0x4  }
0x3e: {  	[tilespmem:$0x2860] =	vst v0  }
0x3f: {  	v0 =	vld [tilespmem:s19+$0x70];
	_ =	sdelay $0x3  }
.Ltmp0:
0x40: {  	(pc) =	sbr.rel @p0 .LBB2_2-.Ltmp0, $4  }
0x41: {  	[tilespmem:$0x2870] =	vst v0  }
0x42: {  	[spmem:s3] =	stream.indirect.scatter.add.f32 [tilespmem:s10], [sflag:$0x1], $0x80, s14, s13, $0xb8;
	[tilespmem:$0x1A880] =	vst v63  }
0x43: {  	_ =	swait.ge [sflag:s9], $0x4000  }
0x44: {  	s18 =	smov.u32 s17;
	[sflag:s9] =	ssyncset.done $0x0  }
0x45: {  	s16 =	sshra.s32 s16, $0x2;
	[sflag:s9] =	ssyncadd.s32 $0xFFFFC000  }
0x46: {  	v0 =	vld [tilespmem:s16+$0x0];
	_ =	sdelay $0x4  }
0x47: {  	[tilespmem:$0x2800] =	vst v0  }
0x48: {  	v0 =	vld [tilespmem:s16+$0x10];
	_ =	sdelay $0x4  }
0x49: {  	[tilespmem:$0x2810] =	vst v0  }
0x4a: {  	v0 =	vld [tilespmem:s16+$0x20];
	_ =	sdelay $0x4  }
0x4b: {  	[tilespmem:$0x2820] =	vst v0  }
0x4c: {  	v0 =	vld [tilespmem:s16+$0x30];
	_ =	sdelay $0x4  }
0x4d: {  	[tilespmem:$0x2830] =	vst v0  }
0x4e: {  	v0 =	vld [tilespmem:s16+$0x40];
	_ =	sdelay $0x4  }
0x4f: {  	[tilespmem:$0x2840] =	vst v0  }
0x50: {  	v0 =	vld [tilespmem:s16+$0x50];
	_ =	sdelay $0x4  }
0x51: {  	[tilespmem:$0x2850] =	vst v0  }
0x52: {  	v0 =	vld [tilespmem:s16+$0x60];
	_ =	sdelay $0x4  }
0x53: {  	[tilespmem:$0x2860] =	vst v0  }
0x54: {  	v0 =	vld [tilespmem:s16+$0x70];
	_ =	sdelay $0x4  }
0x55: {  	[tilespmem:$0x2870] =	vst v0  }
0x56: {  	[spmem:s3] =	stream.indirect.scatter.add.f32 [tilespmem:s10], [sflag:$0x1], $0x80, s14, s13, $0xb8;
	[tilespmem:$0x1A880] =	vst v63  }
0x57: {  	_ =	swait.ge [sflag:s9], $0x4000  }
0x58: {  	s15 =	sadd.s32 $0x1, s15;
	[sflag:s9] =	ssyncset.done $0x0  }
0x59: {  	p0 =	sne.s32 s15, s8;
	[sflag:s9] =	ssyncadd.s32 $0xFFFFC000  }
.Ltmp1:
0x5a: {  	[bflag:$0x0] =	sbarrier.arrive $0xFFFF;
	(pc) =	sbr.rel @p0 .LBB2_1-.Ltmp1, $4  }
0x5b: {  	[hbm:s7], [sflag:s11] =	dma.local [spmem:s12], $0x2800  }
0x5c: {  	_ =	swait.ge [sflag:s9], $0x2800  }
0x5d: {  	[sflag:s9] =	ssyncset.done $0x0  }
0x5e: {  	[sflag:s9] =	ssyncadd.s32 $0xFFFFD800  }
0x5f: {  	_ =	sfence.sel $0x180000  }
0x60: {  	[bflag:$0x0] =	sbarrier.arrive $0xFFFF  }
0x61: {  	p0 =	sne.s32 s0, $0x0;
	_ =	strace $0x90000047  }
0x62: {  	s0 =	sadd.s32 @!p0 $0x100000, s1;
	[bflag:$0x2] =	sbarrier.arrive $0xFFFF  }
0x63: {  	[sflag:s0] =	ssyncadd.tile.s32 @!p0 $0x1;
	_ =	shalt  }
.Lfunc_end2:
_tile_overlayer_lowered:
.L_overlay_start_2:
0x64: {  	(tag) =	ssettag $0x2  }
0x65: {  	s0 =	rddreg [dreg:$0x0];
	s2 =	stileid.u32  }
0x66: {  	s1 =	rddreg [dreg:$0x1];
	p0 =	sne.s32 s2, $0x0  }
0x67: {  	s3 =	rddreg [dreg:$0x2];
	[bflag:$0x3] =	sbarrier.arrive $0xFFFF;
	s2 =	simm.s32 @!p0 $0x1C01  }
0x68: {  	[timem:s3], [sflag:s2] =	dma.local @!p0 [hbm:s0], s1  }
0x69: {  	s0 =	simm.s32 @!p0 $0x1  }
0x6a: {  	_ =	swait.ge @!p0 [sflag:s0], s1  }
0x6b: {  	s1 =	ssub.s32 @!p0 $0x0, s1;
	[sflag:s0] =	ssyncset.done @!p0 $0x0  }
0x6c: {  	[sflag:s0] =	ssyncadd.s32 @!p0 s1  }
0x6d: {  	[bflag:$0x3] =	sbarrier.arrive $0xFFFF  }
0x6e: {  	_ =	shalt  }

// kernel: kernel.9.cloned.1.call-start
scs
__scs_entry_jumppad:
0x0: {  	(pc) =	sbr.rel $0x88, $3  }
0x1: {  	(tag) =	ssettag $0x0;
	lr =	simm.s32 $0x1  }
0x2: {  	[smem:$0x3F97] =	sst lr;
	_ =	strace $0xD0000000  }
0x3: {  	_ = 	snop  }
0x4: {  	_ = 	snop  }
0x5: {  	_ = 	snop  }
0x6: {  	_ = 	snop  }
0x7: {  	_ = 	snop  }
__scs_overlays_trampoline_lowered:
0x8: {  	[smem:$0x3FA6] =	sst s0  }
0x9: {  	[smem:$0x3FA7] =	sst s1  }
0xa: {  	[smem:$0x3FA8] =	sst s2  }
0xb: {  	[smem:$0x3FA9] =	sst s3  }
0xc: {  	[smem:$0x3FAA] =	sst s4  }
0xd: {  	[smem:$0x3FAB] =	sst s5  }
0xe: {  	[smem:$0x3FAC] =	sst s6  }
0xf: {  	[smem:$0x3FAD] =	sst s7  }
0x10: {  	[smem:$0x3FAE] =	sst s8  }
0x11: {  	[smem:$0x3FAF] =	sst s9;
	s0 =	simm.s32 @!p0 $0x0  }
0x12: {  	s1 =	sld [smem:$0x3F95];
	s0 =	simm.s32 @p0 $0x1  }
0x13: {  	[smem:$0x3FB0] =	sst s0;
	s0 =	simm.s32 @!p1 $0x0  }
0x14: {  	s2 =	sld [smem:$0x3F94];
	s0 =	simm.s32 @p1 $0x1  }
0x15: {  	[smem:$0x3FB1] =	sst s0;
	s0 =	simm.s32 @!p2 $0x0  }
0x16: {  	s3 =	sld [smem:$0x3FDB];
	s0 =	simm.s32 @p2 $0x1  }
0x17: {  	s4 =	simm.s32 $0x1BF5;
	[smem:$0x3FB3] =	sst s0  }
0x18: {  	s0 =	sld [smem:$0x3F96];
	_ =	swait.ge [sflag:s4], $0x0  }
0x19: {  	s7 =	sld [smem:$0x3F97]  }
0x1a: {  	s8 =	sadd.s32 $0xFFFFE003, lr  }
0x1b: {  	s9 =	sadd.s32 $0xFFFFFEF7, lr;
	s5 =	simm.s32 $0xFFFFFFFF;
	p2 =	slt.u32 s8, $0xFFFFF086  }
0x1c: {  	p1 =	slt.u32 s9, $0xF7A;
	s5 =	simm.s32 @!p2 $0x0  }
0x1d: {  	s5 =	simm.s32 @p1 $0x1;
	p0 =	seq.s32 s7, s2  }
0x1e: {  	s7 =	smul.u32 @!p0 $0xF7A, s2;
	p2 =	seq.s32 @!p0 s5, $0x0  }
0x1f: {  	s9 =	smul.u32 $0xF7A, s1;
	s8 =	simm.s32 @!p0 $0x1BF5;
	p2 =	por !p2, p0  }
0x20: {  	[sflag:s8] =	ssyncset.s32 @!p0 $0xFFFFF086;
	s6 =	sadd.s32 @!p0 s3, s7;
	s7 =	simm.s32 @!p0 $0x108  }
0x21: {  	s3 =	sadd.s32 s3, s9;
	s6 =	sadd.s32 @!p0 $0x88, s6;
	s7 =	simm.s32 @p2 $0x1082  }
0x22: {  	[simem:s7], [sflag:s8] =	dma.local @!p0 [hbm:s6], $0xF7A  }
0x23: {  	s9 =	sor.u32 $0xD0000000, s2;
	s6 =	simm.s32 $0x108;
	_ =	swait.ge @!p0 [sflag:s8], $0x0  }
0x24: {  	s3 =	sadd.s32 $0x88, s3;
	s6 =	simm.s32 @!p1 $0x1082;
	[sflag:s4] =	ssyncset.s32 $0xFFFFF086  }
0x25: {  	[simem:s6], [sflag:s4] =	dma.local [hbm:s3], $0xF7A  }
0x26: {  	[smem:$0x3F97] =	sst s1;
	(tag) =	ssettag s2;
	_ =	strace s9  }
0x27: {  	s1 =	sld [smem:$0x3FA7]  }
0x28: {  	s2 =	sld [smem:$0x3FA8]  }
0x29: {  	s4 =	sld [smem:$0x3FAA]  }
0x2a: {  	p0 =	seq.s32 s5, $0x0;
	s5 =	sld [smem:$0x3FAB]  }
0x2b: {  	s6 =	sld [smem:$0x3FAC]  }
0x2c: {  	s7 =	sld [smem:$0x3FAD]  }
0x2d: {  	s3 =	simm.s32 $0x108;
	s8 =	sld [smem:$0x3FAE]  }
0x2e: {  	s3 =	simm.s32 @!p0 $0x1082;
	s9 =	sld [smem:$0x3FAF]  }
0x2f: {  	lr =	sadd.s32 s0, s3;
	s0 =	sld [smem:$0x3FA6]  }
0x30: {  	s3 =	sld [smem:$0x3FA9]  }
0x31: {  	[smem:$0x3FB2] =	sst s10  }
0x32: {  	s10 =	sld [smem:$0x3FB0];
	_ =	sdelay $0x3  }
0x33: {  	p0 =	seq.s32 s10, $0x1;
	s10 =	sld [smem:$0x3FB2];
	_ =	sdelay $0x3  }
0x34: {  	[smem:$0x3FB2] =	sst s10  }
0x35: {  	s10 =	sld [smem:$0x3FB1];
	_ =	sdelay $0x3  }
0x36: {  	p1 =	seq.s32 s10, $0x1;
	s10 =	sld [smem:$0x3FB2];
	_ =	sdelay $0x3  }
0x37: {  	[smem:$0x3FB2] =	sst s10  }
0x38: {  	s10 =	sld [smem:$0x3FB3]  }
0x39: {  	_ = 	snop;
	(pc) =	sbr.ind lr, $3  }
0x3a: {  	_ = 	snop  }
0x3b: {  	_ = 	snop  }
0x3c: {  	p2 =	seq.s32 s10, $0x1;
	s10 =	sld [smem:$0x3FB2]  }
0x3d: {  	_ =	shalt  }
0x3e: {  	_ =	shalt  }
0x3f: {  	_ =	shalt  }
0x40: {  	_ =	shalt  }
0x41: {  	_ =	shalt  }
0x42: {  	_ =	shalt  }
0x43: {  	_ =	shalt  }
0x44: {  	_ =	shalt  }
0x45: {  	_ =	shalt  }
0x46: {  	_ =	shalt  }
0x47: {  	_ =	shalt  }
0x48: {  	_ =	shalt  }
0x49: {  	_ =	shalt  }
0x4a: {  	_ =	shalt  }
0x4b: {  	_ =	shalt  }
0x4c: {  	_ =	shalt  }
0x4d: {  	_ =	shalt  }
0x4e: {  	_ =	shalt  }
0x4f: {  	_ =	shalt  }
0x50: {  	_ =	shalt  }
0x51: {  	_ =	shalt  }
0x52: {  	_ =	shalt  }
0x53: {  	_ =	shalt  }
0x54: {  	_ =	shalt  }
0x55: {  	_ =	shalt  }
0x56: {  	_ =	shalt  }
0x57: {  	_ =	shalt  }
0x58: {  	_ =	shalt  }
0x59: {  	_ =	shalt  }
0x5a: {  	_ =	shalt  }
0x5b: {  	_ =	shalt  }
0x5c: {  	_ =	shalt  }
0x5d: {  	_ =	shalt  }
0x5e: {  	_ =	shalt  }
0x5f: {  	_ =	shalt  }
0x60: {  	_ =	shalt  }
0x61: {  	_ =	shalt  }
0x62: {  	_ =	shalt  }
0x63: {  	_ =	shalt  }
0x64: {  	_ =	shalt  }
0x65: {  	_ =	shalt  }
0x66: {  	_ =	shalt  }
0x67: {  	_ =	shalt  }
0x68: {  	_ =	shalt  }
0x69: {  	_ =	shalt  }
0x6a: {  	_ =	shalt  }
0x6b: {  	_ =	shalt  }
0x6c: {  	_ =	shalt  }
0x6d: {  	_ =	shalt  }
0x6e: {  	_ =	shalt  }
0x6f: {  	_ =	shalt  }
0x70: {  	_ =	shalt  }
0x71: {  	_ =	shalt  }
0x72: {  	_ =	shalt  }
0x73: {  	_ =	shalt  }
0x74: {  	_ =	shalt  }
0x75: {  	_ =	shalt  }
0x76: {  	_ =	shalt  }
0x77: {  	_ =	shalt  }
0x78: {  	_ =	shalt  }
0x79: {  	_ =	shalt  }
0x7a: {  	_ =	shalt  }
0x7b: {  	_ =	shalt  }
0x7c: {  	_ =	shalt  }
0x7d: {  	_ =	shalt  }
0x7e: {  	_ =	shalt  }
0x7f: {  	_ =	shalt  }
0x80: {  	_ =	shalt  }
0x81: {  	_ =	shalt  }
0x82: {  	_ =	shalt  }
0x83: {  	_ =	shalt  }
0x84: {  	_ =	shalt  }
0x85: {  	_ =	shalt  }
0x86: {  	_ =	shalt  }
0x87: {  	_ =	shalt  }
.Lfunc_end0:
.L_simem_size_0:
called_computation.1_lowered:
.L_overlay_start_0:
0x88: {  	s2 =	sld [smem:$0x3FD9]  }
0x89: {  	s3 =	sld [smem:$0x3FFE];
	_ =	sdelay $0x1  }
0x8a: {  	s1 =	srdreg.scid  }
0x8b: {  	s0 =	sand.u32 $0x1, s1  }
0x8c: {  	s17 =	sshll.u32 s0, $0xA;
	s2 =	sadd.s32 s3, s2  }
0x8d: {  	s2 =	sadd.s32 s2, s17  }
0x8e: {  	[smem:$0x3FBE] =	sst s2  }
0x8f: {  	_ = 	snop  }
0x90: {  	s2 =	sld [smem:$0x3FD0];
	(tm) =	ssettm $0x1  }
0x91: {  	s18 =	sld [smem:$0x3FFB];
	_ =	sdelay $0x3  }
0x92: {  	_ =	strace s18  }
0x93: {  	s3 =	sld [smem:$0x3FFC];
	_ =	sdelay $0x3  }
0x94: {  	_ =	strace s3  }
0x95: {  	s3 =	sld [smem:$0x3FFD];
	_ =	sdelay $0x3  }
0x96: {  	_ =	strace s3  }
0x97: {  	_ =	strace $0x8FFFFFFF  }
0x98: {  	s19 =	sld [smem:$0x3FDB];
	_ =	sdelay $0x1  }
0x99: {  	s4 =	simm.s32 $_scs_section_size  }
0x9a: {  	s5 =	simm.s32 $_size__tile_overlayer_lowered;
	s6 =	simm.s32 $_tile_overlayer_lowered  }
0x9b: {  	s22 =	simm.s32 $0x1BFF;
	s21 =	sshll.u32 s6, $0x1;
	s3 =	sadd.s32 s4, s19  }
0x9c: {  	s7 =	simm.s32 $0x0;
	s20 =	sshll.u32 s5, $0x1;
	s5 =	sadd.s32 s21, s3  }
0x9d: {  	[timem:s7], [sflag:s22] =	dma.local [hbm:s5], s20  }
0x9e: {  	_ =	swait.ge [sflag:s22], s20  }
0x9f: {  	s4 =	ssub.s32 $0x0, s20;
	[sflag:s22] =	ssyncset.done $0x0  }
0xa0: {  	[sflag:s22] =	ssyncadd.s32 s4;
	_ =	sdelay $0x1  }
0xa1: {  	s23 =	simm.s32 $0x1B8B  }
0xa2: {  	_ =	swait.ge [sflag:s23], $0x1  }
0xa3: {  	[sflag:s23] =	ssyncset.done $0x0  }
0xa4: {  	s25 =	simm.s32 $0x1B8E;
	s24 =	sld [smem:$0x3FFE];
	[sflag:s23] =	ssyncadd.s32 $0xFFFFFFFF  }
0xa5: {  	s26 =	simm.s32 $execute0_lowered;
	[smem:$0x3FD2] =	sst s25  }
0xa6: {  	s5 =	sshll.u32 s26, $0x1;
	_ =	strace $0x80000049;
	[dreg:$0x1] =	wrdreg $0xFFFFFFFF  }
0xa7: {  	s28 =	simm.s32 $_size_execute0_lowered;
	s3 =	sadd.s32 s3, s5;
	[dreg:$0x0] =	wrdreg $0x0  }
0xa8: {  	s5 =	sshll.u32 s28, $0x1;
	[dreg:$0x2] =	wrdreg s3  }
0xa9: {  	[dreg:$0x3] =	wrdreg s5  }
0xaa: {  	[dreg:$0x4] =	wrdreg $0xC0  }
0xab: {  	_ =	task [dreg:s7], $0x5FFFF  }
0xac: {  	[dreg:$0x1] =	wrdreg $0xFFFFFFFF  }
0xad: {  	[dreg:$0x0] =	wrdreg $0x60  }
0xae: {  	[dreg:$0x2] =	wrdreg s24  }
0xaf: {  	[dreg:$0x3] =	wrdreg s2  }
0xb0: {  	[dreg:$0x4] =	wrdreg $0x82000  }
0xb1: {  	[dreg:$0x5] =	wrdreg $0x9  }
0xb2: {  	_ =	task.clear_ibuf [dreg:s7], $0x6FFFF;
	_ =	strace $0x90000049  }
0xb3: {  	s29 =	simm.s32 $0x9;
	_ =	strace $0x8000004B  }
0xb4: {  	_ =	swait.ge [sflag:s29], $0x1  }
0xb5: {  	[sflag:s29] =	ssyncadd.s32 $0xFFFFFFFF  }
0xb6: {  	_ =	strace $0x9000004B  }
0xb7: {  	_ =	sfence  }
0xb8: {  	s30 =	sld [smem:$0x0];
	_ =	sdelay $0x2  }
0xb9: {  	s31 =	sshll.u32 s1, $0xD;
	s1 =	sshrl.u32 s1, $0x2  }
0xba: {  	s3 =	sand.u32 $0x4000, s31;
	s1 =	sadd.s32 s1, s30  }
0xbb: {  	s0 =	sor.u32 s3, s0;
	s1 =	sshll.u32 s1, $0x11  }
0xbc: {  	s0 =	sor.u32 s1, s0  }
0xbd: {  	s0 =	sadd.s32 $0x8F2B, s0  }
0xbe: {  	[sflag:s0] =	ssyncadd.remote.s32 $0x1  }
0xbf: {  	_ =	sfence.sel $0xFFFF  }
0xc0: {  	[dreg:$0x0] =	wrdreg $0xFFFFFFFF;
	(pc) =	sbr.abs _section_cstart, $3  }
0xc1: {  	[dreg:$0x1] =	wrdreg $0xFFFFFFFF  }
0xc2: {  	_ =	task.clear_ibuf [dreg:s7], $0x2FFFF;
	_ =	strace $0x9FFFFFFF  }
0xc3: {  	(tm) =	ssettm $0x7FFFFFFF  }
tec
execute0_lowered:
.L_overlay_start_1:
0x0: {  	(tag) =	ssettag $0x1  }
0x1: {  	s8 =	rddreg [dreg:$0x0];
	s0 =	srdreg.scid  }
0x2: {  	s3 =	rddreg [dreg:$0x2];
	s22 =	stileid.u32  }
0x3: {  	s4 =	simm.s32 $0x0;
	s19 =	simm.s32 $0x80;
	s20 =	simm.s32 $0x3  }
0x4: {  	s28 =	simm.s32 $0x2;
	s29 =	simm.s32 $0x0;
	s7 =	smul.u32 $0x14000, s22  }
0x5: {  	s9 =	sand.u32 $0x1, s0;
	[smem:$0x7FF] =	sst s4;
	s13 =	smul.u32 $0x50000, s22  }
0x6: {  	s5 =	sadd.s32 $0x1600, s8;
	s26 =	sshll.u32 s22, $0x6;
	s6 =	smul.u32 $0x140000, s9  }
0x7: {  	_ =	strace $0x8000004A;
	s23 =	ssub.s32 $0x2, s9;
	s24 =	sshll.u32 s9, $0x4  }
0x8: {  	p0 =	seq.s32 s9, $0x0;
	s11 =	sshrl.u32 s23, $0x1;
	s12 =	sor.u32 s22, s24  }
0x9: {  	s25 =	sshrl.u32 s13, $0x2;
	s22 =	simm.s32 $0x180;
	s24 =	simm.s32 $0x100  }
0xa: {  	s10 =	sadd.s32 s7, s6;
	s6 =	sadd.s32 $0x5BE00, s8;
	s7 =	sadd.s32 $0x66E00, s8  }
0xb: {  	s9 =	smul.u32 $0x2C00, s12;
	s16 =	ssub.s32 s23, s11;
	s17 =	sadd.s32 s25, s3  }
0xc: {  	s23 =	simm.s32 $0x4;
	s10 =	sshrl.u32 s10, $0x3;
	s16 =	smax.u32 s16, $0x1  }
0xd: {  	s17 =	sshrl.u32 s17, $0x3;
	s15 =	sadd.s32 s10, s8;
	s8 =	simm.s32 $0x54  }
0xe: {  	s12 =	sshrl.u32 s9, $0x3;
	s10 =	sor.u32 $0x1C05, s26;
	s26 =	simm.s32 $0x1  }
0xf: {  	s8 =	simm.s32 @!p0 $0x49;
	s30 =	sadd.s32 s6, s12;
	s14 =	sor.u32 $0x10, s12  }
0x10: {  	s31 =	sadd.s32 s7, s12;
	s15 =	sadd.s32 $0x71E00, s15;
	[dreg:$0x5] =	wrdreg s30  }
0x11: {  	[dreg:$0x6] =	wrdreg s31;
	s13 =	sadd.s32 s6, s14;
	s18 =	sand.u32 $0x5C, s8  }
0x12: {  	s14 =	sadd.s32 s7, s14;
	s25 =	sand.u32 $0x1, s8;
	[dreg:$0x4] =	wrdreg s18  }
0x13: {  	s18 =	simm.s32 $0x5;
	p0 =	seq.s32 s25, $0x0;
	s25 =	simm.s32 $0x4200  }
.LBB2_1:
0x14: {  	s0 =	rddreg [dreg:$0x1]  }
0x15: {  	[spmem:s17], [sflag:s10] =	dma.local [hbm:s0], $0x2800  }
0x16: {  	_ =	swait.ge [sflag:s18], $0x2800  }
0x17: {  	[sflag:s18] =	ssyncset.done $0x0  }
0x18: {  	[sflag:s18] =	ssyncadd.s32 $0xFFFFD800  }
0x19: {  	[bflag:$0x0] =	sbarrier.arrive $0xFFFF  }
0x1a: {  	s11 =	rddreg [dreg:$0x5]  }
0x1b: {  	[tilespmem:s4], [sflag:$0x3] =	stream.linear.gather [hbm4b:s11+s4], $0x80, $0x38;
	[tilespmem:$0x1C200] =	vst v63  }
0x1c: {  	s12 =	rddreg [dreg:$0x6]  }
0x1d: {  	[tilespmem:s19], [sflag:$0x3] =	stream.linear.gather [hbm4b:s12+s4], $0x80, $0x38;
	[tilespmem:$0x1C200] =	vst v63  }
0x1e: {  	_ =	swait.ge [sflag:s20], $0x80  }
0x1f: {  	[sflag:s20] =	ssyncset.done $0x0  }
0x20: {  	[sflag:s20] =	ssyncadd.s32 $0xFFFFFF80  }
0x21: {  	_ =	swait.ge [sflag:s20], $0x80  }
0x22: {  	[sflag:s20] =	ssyncset.done $0x0  }
0x23: {  	s21 =	simm.s32 $0x200;
	[sflag:s20] =	ssyncadd.s32 $0xFFFFFF80  }
0x24: {  	[tilespmem:s21], [sflag:$0x1] =	stream.indirect.gather [hbm4b:s5+s19], $0x80, s4, s19, $0xb8;
	[tilespmem:$0x1C200] =	vst v63  }
0x25: {  	_ = 	snop  }
0x26: {  	[tilespmem:s24], [sflag:$0x4] =	stream.linear.gather [hbm4b:s13+s4], $0x80, $0x38;
	[tilespmem:$0x1C200] =	vst v63  }
0x27: {  	s30 =	simm.s32 $0x100;
	s31 =	simm.s32 $0x0  }
0x28: {  	[tilespmem:s22], [sflag:$0x4] =	stream.linear.gather [hbm4b:s14+s4], $0x80, $0x38;
	[tilespmem:$0x1C200] =	vst v63  }
.LBB2_2:
0x29: {  	_ =	swait.ge [sflag:s23], $0x80  }
0x2a: {  	[sflag:s23] =	ssyncset.done $0x0  }
0x2b: {  	[sflag:s23] =	ssyncadd.s32 $0xFFFFFF80  }
0x2c: {  	_ =	swait.ge [sflag:s23], $0x80  }
0x2d: {  	[sflag:s23] =	ssyncset.done $0x0  }
0x2e: {  	[sflag:s23] =	ssyncadd.s32 $0xFFFFFF80  }
0x2f: {  	[tilespmem:s25], [sflag:$0x2] =	stream.indirect.gather [hbm4b:s5+s19], $0x80, s24, s19, $0xb8;
	[tilespmem:$0x1C200] =	vst v63  }
0x30: {  	s0 =	sadd.s32 $0x2, s31;
	_ =	swait.ge [sflag:s26], $0x4000  }
0x31: {  	p1 =	sge.u32 s0, s8;
	[sflag:s26] =	ssyncset.done $0x0  }
0x32: {  	s1 =	simm.s32 @p1 $0x80;
	s2 =	simm.s32 @p1 $0x200;
	[sflag:s26] =	ssyncadd.s32 $0xFFFFC000  }
0x33: {  	[spmem:s3] =	stream.indirect.scatter.add.f32 @p1 [tilespmem:s2], [sflag:$0x5], $0x80, s1, s1, $0xb8;
	[tilespmem:$0x1C200] =	vst v63  }
0x34: {  	s1 =	sand.u32 @!p1 $0x7FFFFC00, s30  }
0x35: {  	s21 =	sand.u32 @!p1 $0x300, s30;
	s2 =	simm.s32 @p1 $0x5;
	s1 =	sadd.s32 @!p1 s9, s1  }
0x36: {  	_ =	swait.ge @p1 [sflag:s2], $0x4000;
	s1 =	sor.u32 @!p1 s21, s1  }
0x37: {  	[sflag:s2] =	ssyncset.done @p1 $0x0;
	s1 =	sshrl.u32 @!p1 s1, $0x3  }
0x38: {  	s21 =	simm.s32 @!p1 $0x0;
	[sflag:s2] =	ssyncadd.s32 @p1 $0xFFFFC000;
	s2 =	sadd.s32 @!p1 s6, s1  }
0x39: {  	[tilespmem:s21], [sflag:$0x3] =	stream.linear.gather @!p1 [hbm4b:s2+s21], $0x80, $0x38;
	[tilespmem:$0x1C200] =	vst v63  }
0x3a: {  	s11 =	simm.s32 @!p1 $0x200;
	s12 =	simm.s32 @!p1 $0x5;
	s2 =	simm.s32 @!p1 $0x80  }
0x3b: {  	[spmem:s3] =	stream.indirect.scatter.add.f32 @!p1 [tilespmem:s11], [sflag:$0x5], $0x80, s2, s2, $0xb8;
	[tilespmem:$0x1C200] =	vst v63  }
0x3c: {  	_ =	swait.ge @!p1 [sflag:s12], $0x4000  }
0x3d: {  	[sflag:s12] =	ssyncset.done @!p1 $0x0  }
0x3e: {  	s1 =	sadd.s32 @!p1 s7, s1;
	[sflag:s12] =	ssyncadd.s32 @!p1 $0xFFFFC000  }
0x3f: {  	[tilespmem:s2], [sflag:$0x3] =	stream.linear.gather @!p1 [hbm4b:s1+s21], $0x80, $0x38;
	[tilespmem:$0x1C200] =	vst v63  }
0x40: {  	s1 =	simm.s32 @!p1 $0x3  }
0x41: {  	_ =	swait.ge @!p1 [sflag:s1], $0x80  }
0x42: {  	[sflag:s1] =	ssyncset.done @!p1 $0x0  }
0x43: {  	[sflag:s1] =	ssyncadd.s32 @!p1 $0xFFFFFF80  }
0x44: {  	_ =	swait.ge @!p1 [sflag:s1], $0x80  }
0x45: {  	[sflag:s1] =	ssyncset.done @!p1 $0x0  }
0x46: {  	s12 =	sadd.s32 $0x3, s31;
	[sflag:s1] =	ssyncadd.s32 @!p1 $0xFFFFFF80  }
0x47: {  	[tilespmem:s11], [sflag:$0x1] =	stream.indirect.gather @!p1 [hbm4b:s5+s2], $0x80, s21, s2, $0xb8;
	[tilespmem:$0x1C200] =	vst v63  }
0x48: {  	p1 =	sge.u32 s12, s8  }
0x49: {  	_ =	swait.ge [sflag:s28], $0x4000;
	s1 =	sadd.s32 @!p1 $0x80, s30  }
0x4a: {  	[sflag:s28] =	ssyncset.done $0x0;
	s2 =	sand.u32 @!p1 $0x7FFFFC00, s1  }
0x4b: {  	s1 =	sand.u32 @!p1 $0x380, s1;
	[sflag:s28] =	ssyncadd.s32 $0xFFFFC000;
	s2 =	sadd.s32 @!p1 s9, s2  }
0x4c: {  	[spmem:s3] =	stream.indirect.scatter.add.f32 [tilespmem:s25], [sflag:$0x5], $0x80, s22, s19, $0xb8;
	[tilespmem:$0x1C200] =	vst v63  }
0x4d: {  	s1 =	sor.u32 @!p1 s1, s2;
	_ =	swait.ge [sflag:s18], $0x4000  }
0x4e: {  	s11 =	simm.s32 @!p1 $0x0;
	s1 =	sshrl.u32 @!p1 s1, $0x3;
	[sflag:s18] =	ssyncset.done $0x0  }
0x4f: {  	s12 =	simm.s32 @!p1 $0x100;
	s2 =	sadd.s32 @!p1 s6, s1;
	[sflag:s18] =	ssyncadd.s32 $0xFFFFC000  }
0x50: {  	[tilespmem:s12], [sflag:$0x4] =	stream.linear.gather @!p1 [hbm4b:s2+s11], $0x80, $0x38;
	[tilespmem:$0x1C200] =	vst v63  }
0x51: {  	s21 =	rddreg [dreg:$0x4];
	s1 =	sadd.s32 @!p1 s7, s1;
	s12 =	simm.s32 @!p1 $0x180  }
0x52: {  	[tilespmem:s12], [sflag:$0x4] =	stream.linear.gather @!p1 [hbm4b:s1+s11], $0x80, $0x38;
	[tilespmem:$0x1C200] =	vst v63  }
0x53: {  	p1 =	sne.s32 s21, s0  }
.Ltmp0:
0x54: {  	_ = 	snop;
	(pc) =	sbr.rel @p1 .LBB2_2-.Ltmp0, $2  }
0x55: {  	_ =	sdelay $0x2  }
0x56: {  	s31 =	smov.u32 s0;
	s30 =	sadd.s32 $0x100, s30  }
0x57: {  	s0 =	simm.s32 @!p0 $0x1  }
0x58: {  	_ =	swait.ge @!p0 [sflag:s0], $0x4000  }
0x59: {  	[sflag:s0] =	ssyncset.done @!p0 $0x0  }
0x5a: {  	s1 =	simm.s32 @!p0 $0x200;
	[sflag:s0] =	ssyncadd.s32 @!p0 $0xFFFFC000;
	s0 =	simm.s32 @!p0 $0x80  }
0x5b: {  	[spmem:s3] =	stream.indirect.scatter.add.f32 @!p0 [tilespmem:s1], [sflag:$0x5], $0x80, s0, s0, $0xb8;
	[tilespmem:$0x1C200] =	vst v63  }
0x5c: {  	s0 =	simm.s32 @!p0 $0x5  }
0x5d: {  	_ =	swait.ge @!p0 [sflag:s0], $0x4000  }
0x5e: {  	s29 =	sadd.s32 $0x1, s29;
	[sflag:s0] =	ssyncset.done @!p0 $0x0  }
0x5f: {  	p1 =	sne.s32 s29, s16;
	[sflag:s0] =	ssyncadd.s32 @!p0 $0xFFFFC000  }
.Ltmp1:
0x60: {  	[bflag:$0x0] =	sbarrier.arrive $0xFFFF;
	(pc) =	sbr.rel @p1 .LBB2_1-.Ltmp1, $4  }
0x61: {  	[hbm:s15], [sflag:s10] =	dma.local [spmem:s17], $0x2800  }
0x62: {  	_ =	swait.ge [sflag:s18], $0x2800  }
0x63: {  	[sflag:s18] =	ssyncset.done $0x0  }
0x64: {  	[sflag:s18] =	ssyncadd.s32 $0xFFFFD800  }
0x65: {  	_ =	sfence.sel $0x180000  }
0x66: {  	[bflag:$0x0] =	sbarrier.arrive $0xFFFF  }
0x67: {  	_ =	strace $0x9000004A  }
0x68: {  	s0 =	stileid.u32;
	[bflag:$0x2] =	sbarrier.arrive $0xFFFF  }
0x69: {  	p0 =	sne.s32 s0, $0x0;
	s0 =	rddreg [dreg:$0x3]  }
0x6a: {  	s0 =	sadd.s32 @!p0 $0x100000, s0  }
0x6b: {  	[sflag:s0] =	ssyncadd.tile.s32 @!p0 $0x1;
	_ =	shalt  }
.Lfunc_end2:
_tile_overlayer_lowered:
.L_overlay_start_2:
0x6c: {  	(tag) =	ssettag $0x2  }
0x6d: {  	s0 =	rddreg [dreg:$0x0];
	s2 =	stileid.u32  }
0x6e: {  	s1 =	rddreg [dreg:$0x1];
	p0 =	sne.s32 s2, $0x0  }
0x6f: {  	s3 =	rddreg [dreg:$0x2];
	[bflag:$0x3] =	sbarrier.arrive $0xFFFF;
	s2 =	simm.s32 @!p0 $0x1C05  }
0x70: {  	[timem:s3], [sflag:s2] =	dma.local @!p0 [hbm:s0], s1  }
0x71: {  	s0 =	simm.s32 @!p0 $0x5  }
0x72: {  	_ =	swait.ge @!p0 [sflag:s0], s1  }
0x73: {  	s1 =	ssub.s32 @!p0 $0x0, s1;
	[sflag:s0] =	ssyncset.done @!p0 $0x0  }
0x74: {  	[sflag:s0] =	ssyncadd.s32 @!p0 s1  }
0x75: {  	[bflag:$0x3] =	sbarrier.arrive $0xFFFF  }
0x76: {  	_ =	shalt  }

</sc_bundles>
